<compile_context>
chip_gen: v7x
topology: tpu7x:2x2x1
jax: 0.10.2.dev20260603
libtpu: 0.0.44.dev20260713+nightly
codegen_flags: <defaults>
</compile_context>

<pallas_src>
import functools

import jax
import jax.numpy as jnp
from jax import lax
from jax.experimental import pallas as pl
from jax.experimental.pallas import tpu as pltpu
from jax.experimental.pallas import tpu_sc as plsc

V = 8192
N = 8192
NC, NS = 2, 16
NW = NC * NS
BPW = N // NW
CHUNK = 4
NCHUNK = BPW // CHUNK
TLC = 128
RB = 256

_mesh = plsc.VectorSubcoreMesh(core_axis_name="c", subcore_axis_name="s")


@functools.partial(
    pl.kernel,
    mesh=_mesh,
    out_type=[
        jax.ShapeDtypeStruct((N, V), jnp.float32),
        jax.ShapeDtypeStruct((NW, 16), jnp.float32),
    ],
    scratch_types=[
        pltpu.VMEM((NCHUNK, CHUNK), jnp.int32),
        pltpu.VMEM((NCHUNK, 16), jnp.int32),
        pltpu.VMEM((2, CHUNK, V), jnp.float32),
        pltpu.VMEM((16,), jnp.float32),
        pltpu.SemaphoreType.DMA,
        pltpu.SemaphoreType.DMA,
    ],
)
def _sc_gather(table_hbm, x3_hbm, t3_hbm, out_hbm, tlp_hbm,
               idx_v, tcol_v, rows_v, tlp_v, sem0, sem1):
    wid = lax.axis_index("s") * NC + lax.axis_index("c")
    base = wid * BPW

    pltpu.sync_copy(x3_hbm.at[wid], idx_v)
    pltpu.sync_copy(t3_hbm.at[wid], tcol_v)

    lanes = lax.broadcasted_iota(jnp.int32, (16,), 0)

    def _start(c, slot, sem):
        pltpu.make_async_copy(
            table_hbm.at[idx_v.at[c]], rows_v.at[slot], sem
        ).start()

    def _drain(c, slot, sem, acc):
        pltpu.make_async_copy(
            table_hbm.at[idx_v.at[c]], rows_v.at[slot], sem
        ).wait()
        tvec = tcol_v[c]
        for r in range(CHUNK):
            t = tvec[r]
            vec = rows_v[slot, r, pl.ds((t // 16) * 16, 16)]
            acc = acc + jnp.where(lanes == t % 16, vec, 0.0)
        pltpu.sync_copy(
            rows_v.at[slot], out_hbm.at[pl.ds(base + c * CHUNK, CHUNK)]
        )
        return acc

    _start(0, 0, sem0)
    _start(1, 1, sem1)

    def _body(p, acc):
        acc = _drain(2 * p, 0, sem0, acc)
        _start(2 * p + 2, 0, sem0)
        acc = _drain(2 * p + 1, 1, sem1, acc)
        _start(2 * p + 3, 1, sem1)
        return acc

    acc = lax.fori_loop(
        0, NCHUNK // 2 - 1, _body, jnp.zeros((16,), jnp.float32)
    )
    acc = _drain(NCHUNK - 2, 0, sem0, acc)
    acc = _drain(NCHUNK - 1, 1, sem1, acc)
    tlp_v[...] = acc
    pltpu.sync_copy(tlp_v, tlp_hbm.at[wid])


@functools.partial(
    pl.kernel,
    mesh=_mesh,
    out_type=jax.ShapeDtypeStruct((NW, 16), jnp.float32),
    scratch_types=[
        pltpu.VMEM((BPW // TLC, TLC), jnp.int32),
        pltpu.VMEM((BPW,), jnp.float32),
        pltpu.VMEM((16,), jnp.float32),
        pltpu.VMEM((16,), jnp.float32),
        pltpu.SemaphoreType.DMA,
    ],
)
def _sc_loss(x3_hbm, lse_hbm, tlp_hbm, out_hbm, idx_v, lx_v, tlp_v, o_v, sem):
    wid = lax.axis_index("s") * NC + lax.axis_index("c")

    pltpu.sync_copy(x3_hbm.at[wid], idx_v)
    pltpu.sync_copy(tlp_hbm.at[wid], tlp_v)
    for k in range(BPW // TLC):
        pltpu.make_async_copy(
            lse_hbm.at[idx_v.at[k]], lx_v.at[pl.ds(k * TLC, TLC)], sem
        ).start()
    for k in range(BPW // TLC):
        pltpu.make_async_copy(
            lse_hbm.at[idx_v.at[k]], lx_v.at[pl.ds(k * TLC, TLC)], sem
        ).wait()

    def _body(i, acc):
        return acc + lx_v[pl.ds(i * 16, 16)]

    acc = lax.fori_loop(0, BPW // 16, _body, jnp.zeros((16,), jnp.float32))
    o_v[...] = (acc - tlp_v[...]) * (1.0 / N)
    pltpu.sync_copy(o_v, out_hbm.at[wid])


def _lse_body(tab_ref, lse_ref):
    blk = tab_ref[...]
    m = jnp.max(blk, axis=1, keepdims=True)
    s = jnp.sum(jnp.exp(blk - m), axis=1, keepdims=True)
    lse_ref[...] = m + jnp.log(s)


@jax.jit
def kernel(x, targets, table):
    xf = x.reshape(-1).astype(jnp.int32)
    tf = targets.reshape(-1).astype(jnp.int32)

    t3 = jnp.pad(
        tf.reshape(NW, NCHUNK, CHUNK), ((0, 0), (0, 0), (0, 16 - CHUNK))
    )
    logits, tlp = _sc_gather(table, xf.reshape(NW, NCHUNK, CHUNK), t3)

    lse = pl.pallas_call(
        _lse_body,
        grid=(V // RB,),
        in_specs=[pl.BlockSpec((RB, V), lambda i: (i, 0))],
        out_specs=pl.BlockSpec((RB, 1), lambda i: (i, 0)),
        out_shape=jax.ShapeDtypeStruct((V, 1), jnp.float32),
    )(table)

    lossp = _sc_loss(xf.reshape(NW, BPW // TLC, TLC), lse.reshape(-1), tlp)
    return logits, jnp.sum(lossp)

# --- scband reference (transcript-rebuilt; emitter-appended) ---
"""Pipeline reference for scband-bigram-model-20031727468600 (READ-ONLY COPY).

The authoritative reference and input builder live on the scoring server;
editing this copy changes nothing except your own understanding.
"""

import jax, jax.numpy as jnp
import numpy as np

VOCAB = 8192
PAD = 0

def setup_inputs(seed: int = 0) -> dict:
    key = jax.random.key(seed)
    k1, k2, k3 = jax.random.split(key, 3)
    x = jax.random.randint(k1, (8, 1024), 0, VOCAB)
    targets = jax.random.randint(k2, (8, 1024), 0, VOCAB)
    table = jax.random.normal(k3, (VOCAB, VOCAB), dtype=jnp.float32) * 0.02
    # padding_idx row is initialized to zeros in torch nn.Embedding
    table = table.at[PAD].set(0.0)
    return {"x": x, "targets": targets, "table": table}

def reference(x, targets, table):
    # logits = self.embeddings(x)  -> gather rows of [vocab, vocab] table
    logits = jnp.take(table, x, axis=0)
    B, T, C = logits.shape
    logits_flat = logits.reshape(B * T, C)
    targets_flat = targets.reshape(B * T)
    # F.cross_entropy with mean reduction
    logp = jax.nn.log_softmax(logits_flat, axis=-1)
    nll = -jnp.take_along_axis(logp, targets_flat[:, None], axis=1)[:, 0]
    loss = jnp.mean(nll)
    # torch code reassigns logits to the flattened view before returning
    return (logits_flat, loss)

if __name__ == "__main__":
    import jax
    _d = setup_inputs()
    print(jax.jit(kernel)(*tuple(_d.values())))

</pallas_src>

<mosaic_0001>
#map = affine_map<(d0, d1) -> (0, 0)>
#map1 = affine_map<(d0, d1) -> (0, 0, 0)>
module attributes {stable_mosaic.version = 14 : i64} {
  func.func @_sc_gather(%arg0: i32, %arg1: i32, %arg2: memref<8192x8192xf32, #tpu.memory_space<hbm>>, %arg3: memref<32x64x4xi32, #tpu.memory_space<hbm>>, %arg4: memref<32x64x16xi32, #tpu.memory_space<hbm>>, %arg5: memref<8192x8192xf32, #tpu.memory_space<hbm>>, %arg6: memref<32x16xf32, #tpu.memory_space<hbm>>, %arg7: memref<64x4xi32, #tpu.memory_space<vmem>>, %arg8: memref<64x16xi32, #tpu.memory_space<vmem>>, %arg9: memref<2x4x8192xf32, #tpu.memory_space<vmem>>, %arg10: memref<16xf32, #tpu.memory_space<vmem>>, %arg11: memref<!tpu.dma_semaphore, #tpu.memory_space<semaphore_mem>>, %arg12: memref<!tpu.dma_semaphore, #tpu.memory_space<semaphore_mem>>) attributes {dimension_semantics = [#tpu.dimension_semantics<core_parallel>, #tpu.dimension_semantics<subcore_parallel>], iteration_bounds = array<i64: 2, 16>, scalar_prefetch = 0 : i64, scratch_operands = 6 : i64, tpu.core_type = #tpu.core_type<sc_vector_subcore>, window_params = [{transform_indices = #map}, {transform_indices = #map1}, {transform_indices = #map1}, {transform_indices = #map}, {transform_indices = #map}]} {
    %mul3A = arith.constant 2 : i32
    %mul3A_0 = arith.muli %arg1, %mul3A : i32
    %add3A = arith.addi %mul3A_0, %arg0 : i32
    %mul3A_1 = arith.constant 256 : i32
    %mul3A_2 = arith.muli %add3A, %mul3A_1 : i32
    "tpu.region"() ({
      %run_scoped3A_516 = tpu.sem_alloc : memref<!tpu.dma_semaphore, #tpu.memory_space<semaphore_mem>>
      %dma_start3A_517 = arith.constant 0 : i32
      %dma_start3A_518 = arith.constant 0 : i32
      %dma_start3A_519 = tpu.memref_slice %arg3[%add3A, %dma_start3A_517, %dma_start3A_518] : memref<32x64x4xi32, #tpu.memory_space<hbm>> -> memref<1x64x4xi32, #tpu.memory_space<hbm>>
      %dma_start3A_520 = tpu.memref_squeeze %dma_start3A_519 : memref<1x64x4xi32, #tpu.memory_space<hbm>> -> memref<64x4xi32, #tpu.memory_space<hbm>>
      %dma_start3A_521 = arith.constant 0 : i32
      %dma_start3A_522 = arith.constant 0 : i32
      %dma_start3A_523 = tpu.memref_slice %arg3[%add3A, %dma_start3A_521, %dma_start3A_522] : memref<32x64x4xi32, #tpu.memory_space<hbm>> -> memref<1x64x4xi32, #tpu.memory_space<hbm>>
      %dma_start3A_524 = tpu.memref_squeeze %dma_start3A_523 : memref<1x64x4xi32, #tpu.memory_space<hbm>> -> memref<64x4xi32, #tpu.memory_space<hbm>>
      tpu.enqueue_dma source(%dma_start3A_524 : memref<64x4xi32, #tpu.memory_space<hbm>>) target(%arg7 : memref<64x4xi32, #tpu.memory_space<vmem>>) target_semaphore(%run_scoped3A_516 : memref<!tpu.dma_semaphore, #tpu.memory_space<semaphore_mem>>)
      %dma_wait3A_525 = arith.constant 0 : i32
      %dma_wait3A_526 = arith.constant 0 : i32
      %dma_wait3A_527 = tpu.memref_slice %arg3[%add3A, %dma_wait3A_525, %dma_wait3A_526] : memref<32x64x4xi32, #tpu.memory_space<hbm>> -> memref<1x64x4xi32, #tpu.memory_space<hbm>>
      %dma_wait3A_528 = tpu.memref_squeeze %dma_wait3A_527 : memref<1x64x4xi32, #tpu.memory_space<hbm>> -> memref<64x4xi32, #tpu.memory_space<hbm>>
      %dma_wait3A_529 = arith.constant 0 : i32
      %dma_wait3A_530 = arith.constant 0 : i32
      %dma_wait3A_531 = tpu.memref_slice %arg3[%add3A, %dma_wait3A_529, %dma_wait3A_530] : memref<32x64x4xi32, #tpu.memory_space<hbm>> -> memref<1x64x4xi32, #tpu.memory_space<hbm>>
      %dma_wait3A_532 = tpu.memref_squeeze %dma_wait3A_531 : memref<1x64x4xi32, #tpu.memory_space<hbm>> -> memref<64x4xi32, #tpu.memory_space<hbm>>
      tpu.wait_dma2 semaphore(%run_scoped3A_516 : memref<!tpu.dma_semaphore, #tpu.memory_space<semaphore_mem>>) src(%dma_wait3A_532 : memref<64x4xi32, #tpu.memory_space<hbm>>) dst(%arg7 : memref<64x4xi32, #tpu.memory_space<vmem>>)
      tpu.yield
    }) : () -> ()
    "tpu.region"() ({
      %run_scoped3A_516 = tpu.sem_alloc : memref<!tpu.dma_semaphore, #tpu.memory_space<semaphore_mem>>
      %dma_start3A_517 = arith.constant 0 : i32
      %dma_start3A_518 = arith.constant 0 : i32
      %dma_start3A_519 = tpu.memref_slice %arg4[%add3A, %dma_start3A_517, %dma_start3A_518] : memref<32x64x16xi32, #tpu.memory_space<hbm>> -> memref<1x64x16xi32, #tpu.memory_space<hbm>>
      %dma_start3A_520 = tpu.memref_squeeze %dma_start3A_519 : memref<1x64x16xi32, #tpu.memory_space<hbm>> -> memref<64x16xi32, #tpu.memory_space<hbm>>
      %dma_start3A_521 = arith.constant 0 : i32
      %dma_start3A_522 = arith.constant 0 : i32
      %dma_start3A_523 = tpu.memref_slice %arg4[%add3A, %dma_start3A_521, %dma_start3A_522] : memref<32x64x16xi32, #tpu.memory_space<hbm>> -> memref<1x64x16xi32, #tpu.memory_space<hbm>>
      %dma_start3A_524 = tpu.memref_squeeze %dma_start3A_523 : memref<1x64x16xi32, #tpu.memory_space<hbm>> -> memref<64x16xi32, #tpu.memory_space<hbm>>
      tpu.enqueue_dma source(%dma_start3A_524 : memref<64x16xi32, #tpu.memory_space<hbm>>) target(%arg8 : memref<64x16xi32, #tpu.memory_space<vmem>>) target_semaphore(%run_scoped3A_516 : memref<!tpu.dma_semaphore, #tpu.memory_space<semaphore_mem>>)
      %dma_wait3A_525 = arith.constant 0 : i32
      %dma_wait3A_526 = arith.constant 0 : i32
      %dma_wait3A_527 = tpu.memref_slice %arg4[%add3A, %dma_wait3A_525, %dma_wait3A_526] : memref<32x64x16xi32, #tpu.memory_space<hbm>> -> memref<1x64x16xi32, #tpu.memory_space<hbm>>
      %dma_wait3A_528 = tpu.memref_squeeze %dma_wait3A_527 : memref<1x64x16xi32, #tpu.memory_space<hbm>> -> memref<64x16xi32, #tpu.memory_space<hbm>>
      %dma_wait3A_529 = arith.constant 0 : i32
      %dma_wait3A_530 = arith.constant 0 : i32
      %dma_wait3A_531 = tpu.memref_slice %arg4[%add3A, %dma_wait3A_529, %dma_wait3A_530] : memref<32x64x16xi32, #tpu.memory_space<hbm>> -> memref<1x64x16xi32, #tpu.memory_space<hbm>>
      %dma_wait3A_532 = tpu.memref_squeeze %dma_wait3A_531 : memref<1x64x16xi32, #tpu.memory_space<hbm>> -> memref<64x16xi32, #tpu.memory_space<hbm>>
      tpu.wait_dma2 semaphore(%run_scoped3A_516 : memref<!tpu.dma_semaphore, #tpu.memory_space<semaphore_mem>>) src(%dma_wait3A_532 : memref<64x16xi32, #tpu.memory_space<hbm>>) dst(%arg8 : memref<64x16xi32, #tpu.memory_space<vmem>>)
      tpu.yield
    }) : () -> ()
    %iota3A = tpu.iota {dimensions = array<i32: 0>} : vector<16xi32>
    %dma_start3A = arith.constant 0 : i32
    %dma_start3A_3 = arith.constant 0 : i32
    %dma_start3A_4 = arith.constant 0 : i32
    %dma_start3A_5 = arith.constant 0 : i32
    %dma_start3A_6 = tpu.memref_slice %arg9[%dma_start3A_3, %dma_start3A_4, %dma_start3A_5] : memref<2x4x8192xf32, #tpu.memory_space<vmem>> -> memref<1x4x8192xf32, #tpu.memory_space<vmem>>
    %dma_start3A_7 = tpu.memref_squeeze %dma_start3A_6 : memref<1x4x8192xf32, #tpu.memory_space<vmem>> -> memref<4x8192xf32, #tpu.memory_space<vmem>>
    %dma_start3A_8 = arith.constant 0 : i32
    %dma_start3A_9 = tpu.memref_slice %arg7[%dma_start3A, %dma_start3A_8] : memref<64x4xi32, #tpu.memory_space<vmem>> -> memref<1x4xi32, #tpu.memory_space<vmem>>
    %dma_start3A_10 = tpu.memref_squeeze %dma_start3A_9 : memref<1x4xi32, #tpu.memory_space<vmem>> -> memref<4xi32, #tpu.memory_space<vmem>>
    %dma_start3A_11 = arith.constant 0 : i32
    %dma_start3A_12 = arith.constant 0 : i32
    %dma_start3A_13 = tpu.memref_slice %arg2[%dma_start3A_11, %dma_start3A_12] : memref<8192x8192xf32, #tpu.memory_space<hbm>> -> memref<8192x8192xf32, #tpu.memory_space<hbm>>
    tpu.enqueue_indirect_dma source(%dma_start3A_13 : memref<8192x8192xf32, #tpu.memory_space<hbm>>) target(%dma_start3A_7 : memref<4x8192xf32, #tpu.memory_space<vmem>>) offsets(%dma_start3A_10 : memref<4xi32, #tpu.memory_space<vmem>>) semaphore(%arg11 : memref<!tpu.dma_semaphore, #tpu.memory_space<semaphore_mem>>)
    %dma_start3A_14 = arith.constant 1 : i32
    %dma_start3A_15 = arith.constant 1 : i32
    %dma_start3A_16 = arith.constant 0 : i32
    %dma_start3A_17 = arith.constant 0 : i32
    %dma_start3A_18 = tpu.memref_slice %arg9[%dma_start3A_15, %dma_start3A_16, %dma_start3A_17] : memref<2x4x8192xf32, #tpu.memory_space<vmem>> -> memref<1x4x8192xf32, #tpu.memory_space<vmem>>
    %dma_start3A_19 = tpu.memref_squeeze %dma_start3A_18 : memref<1x4x8192xf32, #tpu.memory_space<vmem>> -> memref<4x8192xf32, #tpu.memory_space<vmem>>
    %dma_start3A_20 = arith.constant 0 : i32
    %dma_start3A_21 = tpu.memref_slice %arg7[%dma_start3A_14, %dma_start3A_20] : memref<64x4xi32, #tpu.memory_space<vmem>> -> memref<1x4xi32, #tpu.memory_space<vmem>>
    %dma_start3A_22 = tpu.memref_squeeze %dma_start3A_21 : memref<1x4xi32, #tpu.memory_space<vmem>> -> memref<4xi32, #tpu.memory_space<vmem>>
    %dma_start3A_23 = arith.constant 0 : i32
    %dma_start3A_24 = arith.constant 0 : i32
    %dma_start3A_25 = tpu.memref_slice %arg2[%dma_start3A_23, %dma_start3A_24] : memref<8192x8192xf32, #tpu.memory_space<hbm>> -> memref<8192x8192xf32, #tpu.memory_space<hbm>>
    tpu.enqueue_indirect_dma source(%dma_start3A_25 : memref<8192x8192xf32, #tpu.memory_space<hbm>>) target(%dma_start3A_19 : memref<4x8192xf32, #tpu.memory_space<vmem>>) offsets(%dma_start3A_22 : memref<4xi32, #tpu.memory_space<vmem>>) semaphore(%arg12 : memref<!tpu.dma_semaphore, #tpu.memory_space<semaphore_mem>>)
    %broadcast_in_dim3A = arith.constant 0.000000e+00 : f32
    %broadcast_in_dim3A_26 = vector.broadcast %broadcast_in_dim3A : f32 to vector<16xf32>
    %scan3A = arith.constant 0 : i32
    %scan3A_27 = arith.constant 31 : i32
    %scan3A_28 = arith.addi %scan3A, %scan3A_27 : i32
    %scan3A_29 = arith.constant 1 : i32
    %scan3A_30 = scf.for %scan3A_516 = %scan3A to %scan3A_28 step %scan3A_29 iter_args(%scan3A_517 = %broadcast_in_dim3A_26) -> (vector<16xf32>)  : i32 {
      %mul3A_518 = arith.constant 2 : i32
      %mul3A_519 = arith.muli %mul3A_518, %scan3A_516 : i32
      %dma_wait3A_520 = arith.constant 0 : i32
      %dma_wait3A_521 = arith.constant 0 : i32
      %dma_wait3A_522 = arith.constant 0 : i32
      %dma_wait3A_523 = tpu.memref_slice %arg9[%dma_wait3A_520, %dma_wait3A_521, %dma_wait3A_522] : memref<2x4x8192xf32, #tpu.memory_space<vmem>> -> memref<1x4x8192xf32, #tpu.memory_space<vmem>>
      %dma_wait3A_524 = tpu.memref_squeeze %dma_wait3A_523 : memref<1x4x8192xf32, #tpu.memory_space<vmem>> -> memref<4x8192xf32, #tpu.memory_space<vmem>>
      %dma_wait3A_525 = arith.constant 0 : i32
      %dma_wait3A_526 = tpu.memref_slice %arg7[%mul3A_519, %dma_wait3A_525] : memref<64x4xi32, #tpu.memory_space<vmem>> -> memref<1x4xi32, #tpu.memory_space<vmem>>
      %dma_wait3A_527 = tpu.memref_squeeze %dma_wait3A_526 : memref<1x4xi32, #tpu.memory_space<vmem>> -> memref<4xi32, #tpu.memory_space<vmem>>
      %dma_wait3A_528 = arith.constant 0 : i32
      %dma_wait3A_529 = arith.constant 0 : i32
      %dma_wait3A_530 = tpu.memref_slice %arg2[%dma_wait3A_528, %dma_wait3A_529] : memref<8192x8192xf32, #tpu.memory_space<hbm>> -> memref<8192x8192xf32, #tpu.memory_space<hbm>>
      tpu.wait_indirect_dma semaphore(%arg11 : memref<!tpu.dma_semaphore, #tpu.memory_space<semaphore_mem>>) src(%dma_wait3A_530 : memref<8192x8192xf32, #tpu.memory_space<hbm>>) dst(%dma_wait3A_524 : memref<4x8192xf32, #tpu.memory_space<vmem>>)
      %get3A_531 = arith.index_cast %mul3A_519 : i32 to index
      %get3A_532 = arith.constant 0 : index
      %get3A_533 = tpu.vector_load %arg8[%get3A_531, %get3A_532] {strides = array<i32>} : memref<64x16xi32, #tpu.memory_space<vmem>>, vector<1x16xi32>,
      %get3A_534 = vector.shape_cast %get3A_533 : vector<1x16xi32> to vector<16xi32>
      %slice3A_535 = vector.extract_strided_slice %get3A_534 {offsets = [0], sizes = [1], strides = [1]} : vector<16xi32> to vector<1xi32>
      %squeeze3A_536 = vector.extract %slice3A_535[0] : i32 from vector<1xi32>
      %jit3A_537 = arith.constant 16 : i32
      %div3A_538 = arith.divsi %squeeze3A_536, %jit3A_537 : i32
      %sign3A_539 = arith.constant 0 : i32
      %sign3A_540 = arith.cmpi sgt, %squeeze3A_536, %sign3A_539 : i32
      %sign3A_541 = arith.extui %sign3A_540 : i1 to i32
      %sign3A_542 = arith.constant 0 : i32
      %sign3A_543 = arith.cmpi slt, %squeeze3A_536, %sign3A_542 : i32
      %sign3A_544 = arith.extui %sign3A_543 : i1 to i32
      %sign3A_545 = arith.subi %sign3A_541, %sign3A_544 : i32
      %sign3A_546 = arith.constant 0 : i32
      %sign3A_547 = arith.cmpi sgt, %jit3A_537, %sign3A_546 : i32
      %sign3A_548 = arith.extui %sign3A_547 : i1 to i32
      %sign3A_549 = arith.constant 0 : i32
      %sign3A_550 = arith.cmpi slt, %jit3A_537, %sign3A_549 : i32
      %sign3A_551 = arith.extui %sign3A_550 : i1 to i32
      %sign3A_552 = arith.subi %sign3A_548, %sign3A_551 : i32
      %ne3A_553 = arith.cmpi ne, %sign3A_545, %sign3A_552 : i32
      %rem3A_554 = arith.remsi %squeeze3A_536, %jit3A_537 : i32
      %ne3A_555 = arith.constant 0 : i32
      %ne3A_556 = arith.cmpi ne, %rem3A_554, %ne3A_555 : i32
      %and3A_557 = arith.andi %ne3A_553, %ne3A_556 : i1
      %sub3A_558 = arith.constant 1 : i32
      %sub3A_559 = arith.subi %div3A_538, %sub3A_558 : i32
      %select_n3A_560 = arith.select %and3A_557, %sub3A_559, %div3A_538 : i32
      %mul3A_561 = arith.constant 16 : i32
      %mul3A_562 = arith.muli %select_n3A_560, %mul3A_561 : i32
      %get3A_563 = arith.constant 0 : i32
      %get3A_564 = arith.constant 0 : i32
      %get3A_565 = arith.index_cast %get3A_563 : i32 to index
      %get3A_566 = arith.index_cast %get3A_564 : i32 to index
      %get3A_567 = arith.index_cast %mul3A_562 : i32 to index
      %get3A_568 = tpu.vector_load %arg9[%get3A_565, %get3A_566, %get3A_567] {strides = array<i32>} : memref<2x4x8192xf32, #tpu.memory_space<vmem>>, vector<1x1x16xf32>,
      %get3A_569 = vector.shape_cast %get3A_568 : vector<1x1x16xf32> to vector<16xf32>
      %jit3A_570 = arith.constant 16 : i32
      %eq3A_571 = arith.constant 0 : i32
      %eq3A_572 = arith.cmpi eq, %jit3A_570, %eq3A_571 : i32
      %jit3A_573 = arith.constant 1 : i32
      %select_n3A_574 = arith.select %eq3A_572, %jit3A_573, %jit3A_570 : i32
      %rem3A_575 = arith.remsi %squeeze3A_536, %select_n3A_574 : i32
      %ne3A_576 = arith.constant 0 : i32
      %ne3A_577 = arith.cmpi ne, %rem3A_575, %ne3A_576 : i32
      %lt3A_578 = arith.constant 0 : i32
      %lt3A_579 = arith.cmpi slt, %rem3A_575, %lt3A_578 : i32
      %lt3A_580 = arith.constant 0 : i32
      %lt3A_581 = arith.cmpi slt, %select_n3A_574, %lt3A_580 : i32
      %ne3A_582 = arith.xori %lt3A_579, %lt3A_581 : i1
      %and3A_583 = arith.andi %ne3A_582, %ne3A_577 : i1
      %add3A_584 = arith.addi %rem3A_575, %select_n3A_574 : i32
      %select_n3A_585 = arith.select %and3A_583, %add3A_584, %rem3A_575 : i32
      %eq3A_586 = vector.broadcast %select_n3A_585 : i32 to vector<16xi32>
      %eq3A_587 = arith.cmpi eq, %iota3A, %eq3A_586 : vector<16xi32>
      %jit3A_588 = arith.constant 0.000000e+00 : f32
      %broadcast_in_dim3A_589 = vector.broadcast %jit3A_588 : f32 to vector<16xf32>
      %select_n3A_590 = arith.select %eq3A_587, %get3A_569, %broadcast_in_dim3A_589 : vector<16xi1>, vector<16xf32>
      %add3A_591 = arith.addf %scan3A_517, %select_n3A_590 : vector<16xf32>
      %slice3A_592 = vector.extract_strided_slice %get3A_534 {offsets = [1], sizes = [1], strides = [1]} : vector<16xi32> to vector<1xi32>
      %squeeze3A_593 = vector.extract %slice3A_592[0] : i32 from vector<1xi32>
      %jit3A_594 = arith.constant 16 : i32
      %div3A_595 = arith.divsi %squeeze3A_593, %jit3A_594 : i32
      %sign3A_596 = arith.constant 0 : i32
      %sign3A_597 = arith.cmpi sgt, %squeeze3A_593, %sign3A_596 : i32
      %sign3A_598 = arith.extui %sign3A_597 : i1 to i32
      %sign3A_599 = arith.constant 0 : i32
      %sign3A_600 = arith.cmpi slt, %squeeze3A_593, %sign3A_599 : i32
      %sign3A_601 = arith.extui %sign3A_600 : i1 to i32
      %sign3A_602 = arith.subi %sign3A_598, %sign3A_601 : i32
      %sign3A_603 = arith.constant 0 : i32
      %sign3A_604 = arith.cmpi sgt, %jit3A_594, %sign3A_603 : i32
      %sign3A_605 = arith.extui %sign3A_604 : i1 to i32
      %sign3A_606 = arith.constant 0 : i32
      %sign3A_607 = arith.cmpi slt, %jit3A_594, %sign3A_606 : i32
      %sign3A_608 = arith.extui %sign3A_607 : i1 to i32
      %sign3A_609 = arith.subi %sign3A_605, %sign3A_608 : i32
      %ne3A_610 = arith.cmpi ne, %sign3A_602, %sign3A_609 : i32
      %rem3A_611 = arith.remsi %squeeze3A_593, %jit3A_594 : i32
      %ne3A_612 = arith.constant 0 : i32
      %ne3A_613 = arith.cmpi ne, %rem3A_611, %ne3A_612 : i32
      %and3A_614 = arith.andi %ne3A_610, %ne3A_613 : i1
      %sub3A_615 = arith.constant 1 : i32
      %sub3A_616 = arith.subi %div3A_595, %sub3A_615 : i32
      %select_n3A_617 = arith.select %and3A_614, %sub3A_616, %div3A_595 : i32
      %mul3A_618 = arith.constant 16 : i32
      %mul3A_619 = arith.muli %select_n3A_617, %mul3A_618 : i32
      %get3A_620 = arith.constant 0 : i32
      %get3A_621 = arith.constant 1 : i32
      %get3A_622 = arith.index_cast %get3A_620 : i32 to index
      %get3A_623 = arith.index_cast %get3A_621 : i32 to index
      %get3A_624 = arith.index_cast %mul3A_619 : i32 to index
      %get3A_625 = tpu.vector_load %arg9[%get3A_622, %get3A_623, %get3A_624] {strides = array<i32>} : memref<2x4x8192xf32, #tpu.memory_space<vmem>>, vector<1x1x16xf32>,
      %get3A_626 = vector.shape_cast %get3A_625 : vector<1x1x16xf32> to vector<16xf32>
      %jit3A_627 = arith.constant 16 : i32
      %eq3A_628 = arith.constant 0 : i32
      %eq3A_629 = arith.cmpi eq, %jit3A_627, %eq3A_628 : i32
      %jit3A_630 = arith.constant 1 : i32
      %select_n3A_631 = arith.select %eq3A_629, %jit3A_630, %jit3A_627 : i32
      %rem3A_632 = arith.remsi %squeeze3A_593, %select_n3A_631 : i32
      %ne3A_633 = arith.constant 0 : i32
      %ne3A_634 = arith.cmpi ne, %rem3A_632, %ne3A_633 : i32
      %lt3A_635 = arith.constant 0 : i32
      %lt3A_636 = arith.cmpi slt, %rem3A_632, %lt3A_635 : i32
      %lt3A_637 = arith.constant 0 : i32
      %lt3A_638 = arith.cmpi slt, %select_n3A_631, %lt3A_637 : i32
      %ne3A_639 = arith.xori %lt3A_636, %lt3A_638 : i1
      %and3A_640 = arith.andi %ne3A_639, %ne3A_634 : i1
      %add3A_641 = arith.addi %rem3A_632, %select_n3A_631 : i32
      %select_n3A_642 = arith.select %and3A_640, %add3A_641, %rem3A_632 : i32
      %eq3A_643 = vector.broadcast %select_n3A_642 : i32 to vector<16xi32>
      %eq3A_644 = arith.cmpi eq, %iota3A, %eq3A_643 : vector<16xi32>
      %jit3A_645 = arith.constant 0.000000e+00 : f32
      %broadcast_in_dim3A_646 = vector.broadcast %jit3A_645 : f32 to vector<16xf32>
      %select_n3A_647 = arith.select %eq3A_644, %get3A_626, %broadcast_in_dim3A_646 : vector<16xi1>, vector<16xf32>
      %add3A_648 = arith.addf %add3A_591, %select_n3A_647 : vector<16xf32>
      %slice3A_649 = vector.extract_strided_slice %get3A_534 {offsets = [2], sizes = [1], strides = [1]} : vector<16xi32> to vector<1xi32>
      %squeeze3A_650 = vector.extract %slice3A_649[0] : i32 from vector<1xi32>
      %jit3A_651 = arith.constant 16 : i32
      %div3A_652 = arith.divsi %squeeze3A_650, %jit3A_651 : i32
      %sign3A_653 = arith.constant 0 : i32
      %sign3A_654 = arith.cmpi sgt, %squeeze3A_650, %sign3A_653 : i32
      %sign3A_655 = arith.extui %sign3A_654 : i1 to i32
      %sign3A_656 = arith.constant 0 : i32
      %sign3A_657 = arith.cmpi slt, %squeeze3A_650, %sign3A_656 : i32
      %sign3A_658 = arith.extui %sign3A_657 : i1 to i32
      %sign3A_659 = arith.subi %sign3A_655, %sign3A_658 : i32
      %sign3A_660 = arith.constant 0 : i32
      %sign3A_661 = arith.cmpi sgt, %jit3A_651, %sign3A_660 : i32
      %sign3A_662 = arith.extui %sign3A_661 : i1 to i32
      %sign3A_663 = arith.constant 0 : i32
      %sign3A_664 = arith.cmpi slt, %jit3A_651, %sign3A_663 : i32
      %sign3A_665 = arith.extui %sign3A_664 : i1 to i32
      %sign3A_666 = arith.subi %sign3A_662, %sign3A_665 : i32
      %ne3A_667 = arith.cmpi ne, %sign3A_659, %sign3A_666 : i32
      %rem3A_668 = arith.remsi %squeeze3A_650, %jit3A_651 : i32
      %ne3A_669 = arith.constant 0 : i32
      %ne3A_670 = arith.cmpi ne, %rem3A_668, %ne3A_669 : i32
      %and3A_671 = arith.andi %ne3A_667, %ne3A_670 : i1
      %sub3A_672 = arith.constant 1 : i32
      %sub3A_673 = arith.subi %div3A_652, %sub3A_672 : i32
      %select_n3A_674 = arith.select %and3A_671, %sub3A_673, %div3A_652 : i32
      %mul3A_675 = arith.constant 16 : i32
      %mul3A_676 = arith.muli %select_n3A_674, %mul3A_675 : i32
      %get3A_677 = arith.constant 0 : i32
      %get3A_678 = arith.constant 2 : i32
      %get3A_679 = arith.index_cast %get3A_677 : i32 to index
      %get3A_680 = arith.index_cast %get3A_678 : i32 to index
      %get3A_681 = arith.index_cast %mul3A_676 : i32 to index
      %get3A_682 = tpu.vector_load %arg9[%get3A_679, %get3A_680, %get3A_681] {strides = array<i32>} : memref<2x4x8192xf32, #tpu.memory_space<vmem>>, vector<1x1x16xf32>,
      %get3A_683 = vector.shape_cast %get3A_682 : vector<1x1x16xf32> to vector<16xf32>
      %jit3A_684 = arith.constant 16 : i32
      %eq3A_685 = arith.constant 0 : i32
      %eq3A_686 = arith.cmpi eq, %jit3A_684, %eq3A_685 : i32
      %jit3A_687 = arith.constant 1 : i32
      %select_n3A_688 = arith.select %eq3A_686, %jit3A_687, %jit3A_684 : i32
      %rem3A_689 = arith.remsi %squeeze3A_650, %select_n3A_688 : i32
      %ne3A_690 = arith.constant 0 : i32
      %ne3A_691 = arith.cmpi ne, %rem3A_689, %ne3A_690 : i32
      %lt3A_692 = arith.constant 0 : i32
      %lt3A_693 = arith.cmpi slt, %rem3A_689, %lt3A_692 : i32
      %lt3A_694 = arith.constant 0 : i32
      %lt3A_695 = arith.cmpi slt, %select_n3A_688, %lt3A_694 : i32
      %ne3A_696 = arith.xori %lt3A_693, %lt3A_695 : i1
      %and3A_697 = arith.andi %ne3A_696, %ne3A_691 : i1
      %add3A_698 = arith.addi %rem3A_689, %select_n3A_688 : i32
      %select_n3A_699 = arith.select %and3A_697, %add3A_698, %rem3A_689 : i32
      %eq3A_700 = vector.broadcast %select_n3A_699 : i32 to vector<16xi32>
      %eq3A_701 = arith.cmpi eq, %iota3A, %eq3A_700 : vector<16xi32>
      %jit3A_702 = arith.constant 0.000000e+00 : f32
      %broadcast_in_dim3A_703 = vector.broadcast %jit3A_702 : f32 to vector<16xf32>
      %select_n3A_704 = arith.select %eq3A_701, %get3A_683, %broadcast_in_dim3A_703 : vector<16xi1>, vector<16xf32>
      %add3A_705 = arith.addf %add3A_648, %select_n3A_704 : vector<16xf32>
      %slice3A_706 = vector.extract_strided_slice %get3A_534 {offsets = [3], sizes = [1], strides = [1]} : vector<16xi32> to vector<1xi32>
      %squeeze3A_707 = vector.extract %slice3A_706[0] : i32 from vector<1xi32>
      %jit3A_708 = arith.constant 16 : i32
      %div3A_709 = arith.divsi %squeeze3A_707, %jit3A_708 : i32
      %sign3A_710 = arith.constant 0 : i32
      %sign3A_711 = arith.cmpi sgt, %squeeze3A_707, %sign3A_710 : i32
      %sign3A_712 = arith.extui %sign3A_711 : i1 to i32
      %sign3A_713 = arith.constant 0 : i32
      %sign3A_714 = arith.cmpi slt, %squeeze3A_707, %sign3A_713 : i32
      %sign3A_715 = arith.extui %sign3A_714 : i1 to i32
      %sign3A_716 = arith.subi %sign3A_712, %sign3A_715 : i32
      %sign3A_717 = arith.constant 0 : i32
      %sign3A_718 = arith.cmpi sgt, %jit3A_708, %sign3A_717 : i32
      %sign3A_719 = arith.extui %sign3A_718 : i1 to i32
      %sign3A_720 = arith.constant 0 : i32
      %sign3A_721 = arith.cmpi slt, %jit3A_708, %sign3A_720 : i32
      %sign3A_722 = arith.extui %sign3A_721 : i1 to i32
      %sign3A_723 = arith.subi %sign3A_719, %sign3A_722 : i32
      %ne3A_724 = arith.cmpi ne, %sign3A_716, %sign3A_723 : i32
      %rem3A_725 = arith.remsi %squeeze3A_707, %jit3A_708 : i32
      %ne3A_726 = arith.constant 0 : i32
      %ne3A_727 = arith.cmpi ne, %rem3A_725, %ne3A_726 : i32
      %and3A_728 = arith.andi %ne3A_724, %ne3A_727 : i1
      %sub3A_729 = arith.constant 1 : i32
      %sub3A_730 = arith.subi %div3A_709, %sub3A_729 : i32
      %select_n3A_731 = arith.select %and3A_728, %sub3A_730, %div3A_709 : i32
      %mul3A_732 = arith.constant 16 : i32
      %mul3A_733 = arith.muli %select_n3A_731, %mul3A_732 : i32
      %get3A_734 = arith.constant 0 : i32
      %get3A_735 = arith.constant 3 : i32
      %get3A_736 = arith.index_cast %get3A_734 : i32 to index
      %get3A_737 = arith.index_cast %get3A_735 : i32 to index
      %get3A_738 = arith.index_cast %mul3A_733 : i32 to index
      %get3A_739 = tpu.vector_load %arg9[%get3A_736, %get3A_737, %get3A_738] {strides = array<i32>} : memref<2x4x8192xf32, #tpu.memory_space<vmem>>, vector<1x1x16xf32>,
      %get3A_740 = vector.shape_cast %get3A_739 : vector<1x1x16xf32> to vector<16xf32>
      %jit3A_741 = arith.constant 16 : i32
      %eq3A_742 = arith.constant 0 : i32
      %eq3A_743 = arith.cmpi eq, %jit3A_741, %eq3A_742 : i32
      %jit3A_744 = arith.constant 1 : i32
      %select_n3A_745 = arith.select %eq3A_743, %jit3A_744, %jit3A_741 : i32
      %rem3A_746 = arith.remsi %squeeze3A_707, %select_n3A_745 : i32
      %ne3A_747 = arith.constant 0 : i32
      %ne3A_748 = arith.cmpi ne, %rem3A_746, %ne3A_747 : i32
      %lt3A_749 = arith.constant 0 : i32
      %lt3A_750 = arith.cmpi slt, %rem3A_746, %lt3A_749 : i32
      %lt3A_751 = arith.constant 0 : i32
      %lt3A_752 = arith.cmpi slt, %select_n3A_745, %lt3A_751 : i32
      %ne3A_753 = arith.xori %lt3A_750, %lt3A_752 : i1
      %and3A_754 = arith.andi %ne3A_753, %ne3A_748 : i1
      %add3A_755 = arith.addi %rem3A_746, %select_n3A_745 : i32
      %select_n3A_756 = arith.select %and3A_754, %add3A_755, %rem3A_746 : i32
      %eq3A_757 = vector.broadcast %select_n3A_756 : i32 to vector<16xi32>
      %eq3A_758 = arith.cmpi eq, %iota3A, %eq3A_757 : vector<16xi32>
      %jit3A_759 = arith.constant 0.000000e+00 : f32
      %broadcast_in_dim3A_760 = vector.broadcast %jit3A_759 : f32 to vector<16xf32>
      %select_n3A_761 = arith.select %eq3A_758, %get3A_740, %broadcast_in_dim3A_760 : vector<16xi1>, vector<16xf32>
      %add3A_762 = arith.addf %add3A_705, %select_n3A_761 : vector<16xf32>
      %mul3A_763 = arith.constant 4 : i32
      %mul3A_764 = arith.muli %mul3A_519, %mul3A_763 : i32
      %add3A_765 = arith.addi %mul3A_2, %mul3A_764 : i32
      %run_scoped3A_766 = arith.constant 0 : i32
      "tpu.region"() ({
        %run_scoped3A_1048 = tpu.sem_alloc : memref<!tpu.dma_semaphore, #tpu.memory_space<semaphore_mem>>
        %dma_start3A_1049 = arith.constant 0 : i32
        %dma_start3A_1050 = arith.constant 0 : i32
        %dma_start3A_1051 = tpu.memref_slice %arg9[%run_scoped3A_766, %dma_start3A_1049, %dma_start3A_1050] : memref<2x4x8192xf32, #tpu.memory_space<vmem>> -> memref<1x4x8192xf32, #tpu.memory_space<vmem>>
        %dma_start3A_1052 = tpu.memref_squeeze %dma_start3A_1051 : memref<1x4x8192xf32, #tpu.memory_space<vmem>> -> memref<4x8192xf32, #tpu.memory_space<vmem>>
        %dma_start3A_1053 = arith.constant 0 : i32
        %dma_start3A_1054 = tpu.memref_slice %arg5[%add3A_765, %dma_start3A_1053] : memref<8192x8192xf32, #tpu.memory_space<hbm>> -> memref<4x8192xf32, #tpu.memory_space<hbm>>
        %dma_start3A_1055 = arith.constant 0 : i32
        %dma_start3A_1056 = tpu.memref_slice %arg5[%add3A_765, %dma_start3A_1055] : memref<8192x8192xf32, #tpu.memory_space<hbm>> -> memref<4x8192xf32, #tpu.memory_space<hbm>>
        %dma_start3A_1057 = arith.constant 0 : i32
        %dma_start3A_1058 = arith.constant 0 : i32
        %dma_start3A_1059 = tpu.memref_slice %arg9[%run_scoped3A_766, %dma_start3A_1057, %dma_start3A_1058] : memref<2x4x8192xf32, #tpu.memory_space<vmem>> -> memref<1x4x8192xf32, #tpu.memory_space<vmem>>
        %dma_start3A_1060 = tpu.memref_squeeze %dma_start3A_1059 : memref<1x4x8192xf32, #tpu.memory_space<vmem>> -> memref<4x8192xf32, #tpu.memory_space<vmem>>
        tpu.enqueue_dma source(%dma_start3A_1060 : memref<4x8192xf32, #tpu.memory_space<vmem>>) target(%dma_start3A_1056 : memref<4x8192xf32, #tpu.memory_space<hbm>>) target_semaphore(%run_scoped3A_1048 : memref<!tpu.dma_semaphore, #tpu.memory_space<semaphore_mem>>)
        %dma_wait3A_1061 = arith.constant 0 : i32
        %dma_wait3A_1062 = arith.constant 0 : i32
        %dma_wait3A_1063 = tpu.memref_slice %arg9[%run_scoped3A_766, %dma_wait3A_1061, %dma_wait3A_1062] : memref<2x4x8192xf32, #tpu.memory_space<vmem>> -> memref<1x4x8192xf32, #tpu.memory_space<vmem>>
        %dma_wait3A_1064 = tpu.memref_squeeze %dma_wait3A_1063 : memref<1x4x8192xf32, #tpu.memory_space<vmem>> -> memref<4x8192xf32, #tpu.memory_space<vmem>>
        %dma_wait3A_1065 = arith.constant 0 : i32
        %dma_wait3A_1066 = tpu.memref_slice %arg5[%add3A_765, %dma_wait3A_1065] : memref<8192x8192xf32, #tpu.memory_space<hbm>> -> memref<4x8192xf32, #tpu.memory_space<hbm>>
        %dma_wait3A_1067 = arith.constant 0 : i32
        %dma_wait3A_1068 = tpu.memref_slice %arg5[%add3A_765, %dma_wait3A_1067] : memref<8192x8192xf32, #tpu.memory_space<hbm>> -> memref<4x8192xf32, #tpu.memory_space<hbm>>
        %dma_wait3A_1069 = arith.constant 0 : i32
        %dma_wait3A_1070 = arith.constant 0 : i32
        %dma_wait3A_1071 = tpu.memref_slice %arg9[%run_scoped3A_766, %dma_wait3A_1069, %dma_wait3A_1070] : memref<2x4x8192xf32, #tpu.memory_space<vmem>> -> memref<1x4x8192xf32, #tpu.memory_space<vmem>>
        %dma_wait3A_1072 = tpu.memref_squeeze %dma_wait3A_1071 : memref<1x4x8192xf32, #tpu.memory_space<vmem>> -> memref<4x8192xf32, #tpu.memory_space<vmem>>
        tpu.wait_dma2 semaphore(%run_scoped3A_1048 : memref<!tpu.dma_semaphore, #tpu.memory_space<semaphore_mem>>) src(%dma_wait3A_1072 : memref<4x8192xf32, #tpu.memory_space<vmem>>) dst(%dma_wait3A_1068 : memref<4x8192xf32, #tpu.memory_space<hbm>>)
        tpu.yield
      }) : () -> ()
      %mul3A_767 = arith.constant 2 : i32
      %mul3A_768 = arith.muli %mul3A_767, %scan3A_516 : i32
      %add3A_769 = arith.constant 2 : i32
      %add3A_770 = arith.addi %mul3A_768, %add3A_769 : i32
      %dma_start3A_771 = arith.constant 0 : i32
      %dma_start3A_772 = arith.constant 0 : i32
      %dma_start3A_773 = arith.constant 0 : i32
      %dma_start3A_774 = tpu.memref_slice %arg9[%dma_start3A_771, %dma_start3A_772, %dma_start3A_773] : memref<2x4x8192xf32, #tpu.memory_space<vmem>> -> memref<1x4x8192xf32, #tpu.memory_space<vmem>>
      %dma_start3A_775 = tpu.memref_squeeze %dma_start3A_774 : memref<1x4x8192xf32, #tpu.memory_space<vmem>> -> memref<4x8192xf32, #tpu.memory_space<vmem>>
      %dma_start3A_776 = arith.constant 0 : i32
      %dma_start3A_777 = tpu.memref_slice %arg7[%add3A_770, %dma_start3A_776] : memref<64x4xi32, #tpu.memory_space<vmem>> -> memref<1x4xi32, #tpu.memory_space<vmem>>
      %dma_start3A_778 = tpu.memref_squeeze %dma_start3A_777 : memref<1x4xi32, #tpu.memory_space<vmem>> -> memref<4xi32, #tpu.memory_space<vmem>>
      %dma_start3A_779 = arith.constant 0 : i32
      %dma_start3A_780 = arith.constant 0 : i32
      %dma_start3A_781 = tpu.memref_slice %arg2[%dma_start3A_779, %dma_start3A_780] : memref<8192x8192xf32, #tpu.memory_space<hbm>> -> memref<8192x8192xf32, #tpu.memory_space<hbm>>
      tpu.enqueue_indirect_dma source(%dma_start3A_781 : memref<8192x8192xf32, #tpu.memory_space<hbm>>) target(%dma_start3A_775 : memref<4x8192xf32, #tpu.memory_space<vmem>>) offsets(%dma_start3A_778 : memref<4xi32, #tpu.memory_space<vmem>>) semaphore(%arg11 : memref<!tpu.dma_semaphore, #tpu.memory_space<semaphore_mem>>)
      %mul3A_782 = arith.constant 2 : i32
      %mul3A_783 = arith.muli %mul3A_782, %scan3A_516 : i32
      %add3A_784 = arith.constant 1 : i32
      %add3A_785 = arith.addi %mul3A_783, %add3A_784 : i32
      %dma_wait3A_786 = arith.constant 1 : i32
      %dma_wait3A_787 = arith.constant 0 : i32
      %dma_wait3A_788 = arith.constant 0 : i32
      %dma_wait3A_789 = tpu.memref_slice %arg9[%dma_wait3A_786, %dma_wait3A_787, %dma_wait3A_788] : memref<2x4x8192xf32, #tpu.memory_space<vmem>> -> memref<1x4x8192xf32, #tpu.memory_space<vmem>>
      %dma_wait3A_790 = tpu.memref_squeeze %dma_wait3A_789 : memref<1x4x8192xf32, #tpu.memory_space<vmem>> -> memref<4x8192xf32, #tpu.memory_space<vmem>>
      %dma_wait3A_791 = arith.constant 0 : i32
      %dma_wait3A_792 = tpu.memref_slice %arg7[%add3A_785, %dma_wait3A_791] : memref<64x4xi32, #tpu.memory_space<vmem>> -> memref<1x4xi32, #tpu.memory_space<vmem>>
      %dma_wait3A_793 = tpu.memref_squeeze %dma_wait3A_792 : memref<1x4xi32, #tpu.memory_space<vmem>> -> memref<4xi32, #tpu.memory_space<vmem>>
      %dma_wait3A_794 = arith.constant 0 : i32
      %dma_wait3A_795 = arith.constant 0 : i32
      %dma_wait3A_796 = tpu.memref_slice %arg2[%dma_wait3A_794, %dma_wait3A_795] : memref<8192x8192xf32, #tpu.memory_space<hbm>> -> memref<8192x8192xf32, #tpu.memory_space<hbm>>
      tpu.wait_indirect_dma semaphore(%arg12 : memref<!tpu.dma_semaphore, #tpu.memory_space<semaphore_mem>>) src(%dma_wait3A_796 : memref<8192x8192xf32, #tpu.memory_space<hbm>>) dst(%dma_wait3A_790 : memref<4x8192xf32, #tpu.memory_space<vmem>>)
      %get3A_797 = arith.index_cast %add3A_785 : i32 to index
      %get3A_798 = arith.constant 0 : index
      %get3A_799 = tpu.vector_load %arg8[%get3A_797, %get3A_798] {strides = array<i32>} : memref<64x16xi32, #tpu.memory_space<vmem>>, vector<1x16xi32>,
      %get3A_800 = vector.shape_cast %get3A_799 : vector<1x16xi32> to vector<16xi32>
      %slice3A_801 = vector.extract_strided_slice %get3A_800 {offsets = [0], sizes = [1], strides = [1]} : vector<16xi32> to vector<1xi32>
      %squeeze3A_802 = vector.extract %slice3A_801[0] : i32 from vector<1xi32>
      %jit3A_803 = arith.constant 16 : i32
      %div3A_804 = arith.divsi %squeeze3A_802, %jit3A_803 : i32
      %sign3A_805 = arith.constant 0 : i32
      %sign3A_806 = arith.cmpi sgt, %squeeze3A_802, %sign3A_805 : i32
      %sign3A_807 = arith.extui %sign3A_806 : i1 to i32
      %sign3A_808 = arith.constant 0 : i32
      %sign3A_809 = arith.cmpi slt, %squeeze3A_802, %sign3A_808 : i32
      %sign3A_810 = arith.extui %sign3A_809 : i1 to i32
      %sign3A_811 = arith.subi %sign3A_807, %sign3A_810 : i32
      %sign3A_812 = arith.constant 0 : i32
      %sign3A_813 = arith.cmpi sgt, %jit3A_803, %sign3A_812 : i32
      %sign3A_814 = arith.extui %sign3A_813 : i1 to i32
      %sign3A_815 = arith.constant 0 : i32
      %sign3A_816 = arith.cmpi slt, %jit3A_803, %sign3A_815 : i32
      %sign3A_817 = arith.extui %sign3A_816 : i1 to i32
      %sign3A_818 = arith.subi %sign3A_814, %sign3A_817 : i32
      %ne3A_819 = arith.cmpi ne, %sign3A_811, %sign3A_818 : i32
      %rem3A_820 = arith.remsi %squeeze3A_802, %jit3A_803 : i32
      %ne3A_821 = arith.constant 0 : i32
      %ne3A_822 = arith.cmpi ne, %rem3A_820, %ne3A_821 : i32
      %and3A_823 = arith.andi %ne3A_819, %ne3A_822 : i1
      %sub3A_824 = arith.constant 1 : i32
      %sub3A_825 = arith.subi %div3A_804, %sub3A_824 : i32
      %select_n3A_826 = arith.select %and3A_823, %sub3A_825, %div3A_804 : i32
      %mul3A_827 = arith.constant 16 : i32
      %mul3A_828 = arith.muli %select_n3A_826, %mul3A_827 : i32
      %get3A_829 = arith.constant 1 : i32
      %get3A_830 = arith.constant 0 : i32
      %get3A_831 = arith.index_cast %get3A_829 : i32 to index
      %get3A_832 = arith.index_cast %get3A_830 : i32 to index
      %get3A_833 = arith.index_cast %mul3A_828 : i32 to index
      %get3A_834 = tpu.vector_load %arg9[%get3A_831, %get3A_832, %get3A_833] {strides = array<i32>} : memref<2x4x8192xf32, #tpu.memory_space<vmem>>, vector<1x1x16xf32>,
      %get3A_835 = vector.shape_cast %get3A_834 : vector<1x1x16xf32> to vector<16xf32>
      %jit3A_836 = arith.constant 16 : i32
      %eq3A_837 = arith.constant 0 : i32
      %eq3A_838 = arith.cmpi eq, %jit3A_836, %eq3A_837 : i32
      %jit3A_839 = arith.constant 1 : i32
      %select_n3A_840 = arith.select %eq3A_838, %jit3A_839, %jit3A_836 : i32
      %rem3A_841 = arith.remsi %squeeze3A_802, %select_n3A_840 : i32
      %ne3A_842 = arith.constant 0 : i32
      %ne3A_843 = arith.cmpi ne, %rem3A_841, %ne3A_842 : i32
      %lt3A_844 = arith.constant 0 : i32
      %lt3A_845 = arith.cmpi slt, %rem3A_841, %lt3A_844 : i32
      %lt3A_846 = arith.constant 0 : i32
      %lt3A_847 = arith.cmpi slt, %select_n3A_840, %lt3A_846 : i32
      %ne3A_848 = arith.xori %lt3A_845, %lt3A_847 : i1
      %and3A_849 = arith.andi %ne3A_848, %ne3A_843 : i1
      %add3A_850 = arith.addi %rem3A_841, %select_n3A_840 : i32
      %select_n3A_851 = arith.select %and3A_849, %add3A_850, %rem3A_841 : i32
      %eq3A_852 = vector.broadcast %select_n3A_851 : i32 to vector<16xi32>
      %eq3A_853 = arith.cmpi eq, %iota3A, %eq3A_852 : vector<16xi32>
      %jit3A_854 = arith.constant 0.000000e+00 : f32
      %broadcast_in_dim3A_855 = vector.broadcast %jit3A_854 : f32 to vector<16xf32>
      %select_n3A_856 = arith.select %eq3A_853, %get3A_835, %broadcast_in_dim3A_855 : vector<16xi1>, vector<16xf32>
      %add3A_857 = arith.addf %add3A_762, %select_n3A_856 : vector<16xf32>
      %slice3A_858 = vector.extract_strided_slice %get3A_800 {offsets = [1], sizes = [1], strides = [1]} : vector<16xi32> to vector<1xi32>
      %squeeze3A_859 = vector.extract %slice3A_858[0] : i32 from vector<1xi32>
      %jit3A_860 = arith.constant 16 : i32
      %div3A_861 = arith.divsi %squeeze3A_859, %jit3A_860 : i32
      %sign3A_862 = arith.constant 0 : i32
      %sign3A_863 = arith.cmpi sgt, %squeeze3A_859, %sign3A_862 : i32
      %sign3A_864 = arith.extui %sign3A_863 : i1 to i32
      %sign3A_865 = arith.constant 0 : i32
      %sign3A_866 = arith.cmpi slt, %squeeze3A_859, %sign3A_865 : i32
      %sign3A_867 = arith.extui %sign3A_866 : i1 to i32
      %sign3A_868 = arith.subi %sign3A_864, %sign3A_867 : i32
      %sign3A_869 = arith.constant 0 : i32
      %sign3A_870 = arith.cmpi sgt, %jit3A_860, %sign3A_869 : i32
      %sign3A_871 = arith.extui %sign3A_870 : i1 to i32
      %sign3A_872 = arith.constant 0 : i32
      %sign3A_873 = arith.cmpi slt, %jit3A_860, %sign3A_872 : i32
      %sign3A_874 = arith.extui %sign3A_873 : i1 to i32
      %sign3A_875 = arith.subi %sign3A_871, %sign3A_874 : i32
      %ne3A_876 = arith.cmpi ne, %sign3A_868, %sign3A_875 : i32
      %rem3A_877 = arith.remsi %squeeze3A_859, %jit3A_860 : i32
      %ne3A_878 = arith.constant 0 : i32
      %ne3A_879 = arith.cmpi ne, %rem3A_877, %ne3A_878 : i32
      %and3A_880 = arith.andi %ne3A_876, %ne3A_879 : i1
      %sub3A_881 = arith.constant 1 : i32
      %sub3A_882 = arith.subi %div3A_861, %sub3A_881 : i32
      %select_n3A_883 = arith.select %and3A_880, %sub3A_882, %div3A_861 : i32
      %mul3A_884 = arith.constant 16 : i32
      %mul3A_885 = arith.muli %select_n3A_883, %mul3A_884 : i32
      %get3A_886 = arith.constant 1 : i32
      %get3A_887 = arith.constant 1 : i32
      %get3A_888 = arith.index_cast %get3A_886 : i32 to index
      %get3A_889 = arith.index_cast %get3A_887 : i32 to index
      %get3A_890 = arith.index_cast %mul3A_885 : i32 to index
      %get3A_891 = tpu.vector_load %arg9[%get3A_888, %get3A_889, %get3A_890] {strides = array<i32>} : memref<2x4x8192xf32, #tpu.memory_space<vmem>>, vector<1x1x16xf32>,
      %get3A_892 = vector.shape_cast %get3A_891 : vector<1x1x16xf32> to vector<16xf32>
      %jit3A_893 = arith.constant 16 : i32
      %eq3A_894 = arith.constant 0 : i32
      %eq3A_895 = arith.cmpi eq, %jit3A_893, %eq3A_894 : i32
      %jit3A_896 = arith.constant 1 : i32
      %select_n3A_897 = arith.select %eq3A_895, %jit3A_896, %jit3A_893 : i32
      %rem3A_898 = arith.remsi %squeeze3A_859, %select_n3A_897 : i32
      %ne3A_899 = arith.constant 0 : i32
      %ne3A_900 = arith.cmpi ne, %rem3A_898, %ne3A_899 : i32
      %lt3A_901 = arith.constant 0 : i32
      %lt3A_902 = arith.cmpi slt, %rem3A_898, %lt3A_901 : i32
      %lt3A_903 = arith.constant 0 : i32
      %lt3A_904 = arith.cmpi slt, %select_n3A_897, %lt3A_903 : i32
      %ne3A_905 = arith.xori %lt3A_902, %lt3A_904 : i1
      %and3A_906 = arith.andi %ne3A_905, %ne3A_900 : i1
      %add3A_907 = arith.addi %rem3A_898, %select_n3A_897 : i32
      %select_n3A_908 = arith.select %and3A_906, %add3A_907, %rem3A_898 : i32
      %eq3A_909 = vector.broadcast %select_n3A_908 : i32 to vector<16xi32>
      %eq3A_910 = arith.cmpi eq, %iota3A, %eq3A_909 : vector<16xi32>
      %jit3A_911 = arith.constant 0.000000e+00 : f32
      %broadcast_in_dim3A_912 = vector.broadcast %jit3A_911 : f32 to vector<16xf32>
      %select_n3A_913 = arith.select %eq3A_910, %get3A_892, %broadcast_in_dim3A_912 : vector<16xi1>, vector<16xf32>
      %add3A_914 = arith.addf %add3A_857, %select_n3A_913 : vector<16xf32>
      %slice3A_915 = vector.extract_strided_slice %get3A_800 {offsets = [2], sizes = [1], strides = [1]} : vector<16xi32> to vector<1xi32>
      %squeeze3A_916 = vector.extract %slice3A_915[0] : i32 from vector<1xi32>
      %jit3A_917 = arith.constant 16 : i32
      %div3A_918 = arith.divsi %squeeze3A_916, %jit3A_917 : i32
      %sign3A_919 = arith.constant 0 : i32
      %sign3A_920 = arith.cmpi sgt, %squeeze3A_916, %sign3A_919 : i32
      %sign3A_921 = arith.extui %sign3A_920 : i1 to i32
      %sign3A_922 = arith.constant 0 : i32
      %sign3A_923 = arith.cmpi slt, %squeeze3A_916, %sign3A_922 : i32
      %sign3A_924 = arith.extui %sign3A_923 : i1 to i32
      %sign3A_925 = arith.subi %sign3A_921, %sign3A_924 : i32
      %sign3A_926 = arith.constant 0 : i32
      %sign3A_927 = arith.cmpi sgt, %jit3A_917, %sign3A_926 : i32
      %sign3A_928 = arith.extui %sign3A_927 : i1 to i32
      %sign3A_929 = arith.constant 0 : i32
      %sign3A_930 = arith.cmpi slt, %jit3A_917, %sign3A_929 : i32
      %sign3A_931 = arith.extui %sign3A_930 : i1 to i32
      %sign3A_932 = arith.subi %sign3A_928, %sign3A_931 : i32
      %ne3A_933 = arith.cmpi ne, %sign3A_925, %sign3A_932 : i32
      %rem3A_934 = arith.remsi %squeeze3A_916, %jit3A_917 : i32
      %ne3A_935 = arith.constant 0 : i32
      %ne3A_936 = arith.cmpi ne, %rem3A_934, %ne3A_935 : i32
      %and3A_937 = arith.andi %ne3A_933, %ne3A_936 : i1
      %sub3A_938 = arith.constant 1 : i32
      %sub3A_939 = arith.subi %div3A_918, %sub3A_938 : i32
      %select_n3A_940 = arith.select %and3A_937, %sub3A_939, %div3A_918 : i32
      %mul3A_941 = arith.constant 16 : i32
      %mul3A_942 = arith.muli %select_n3A_940, %mul3A_941 : i32
      %get3A_943 = arith.constant 1 : i32
      %get3A_944 = arith.constant 2 : i32
      %get3A_945 = arith.index_cast %get3A_943 : i32 to index
      %get3A_946 = arith.index_cast %get3A_944 : i32 to index
      %get3A_947 = arith.index_cast %mul3A_942 : i32 to index
      %get3A_948 = tpu.vector_load %arg9[%get3A_945, %get3A_946, %get3A_947] {strides = array<i32>} : memref<2x4x8192xf32, #tpu.memory_space<vmem>>, vector<1x1x16xf32>,
      %get3A_949 = vector.shape_cast %get3A_948 : vector<1x1x16xf32> to vector<16xf32>
      %jit3A_950 = arith.constant 16 : i32
      %eq3A_951 = arith.constant 0 : i32
      %eq3A_952 = arith.cmpi eq, %jit3A_950, %eq3A_951 : i32
      %jit3A_953 = arith.constant 1 : i32
      %select_n3A_954 = arith.select %eq3A_952, %jit3A_953, %jit3A_950 : i32
      %rem3A_955 = arith.remsi %squeeze3A_916, %select_n3A_954 : i32
      %ne3A_956 = arith.constant 0 : i32
      %ne3A_957 = arith.cmpi ne, %rem3A_955, %ne3A_956 : i32
      %lt3A_958 = arith.constant 0 : i32
      %lt3A_959 = arith.cmpi slt, %rem3A_955, %lt3A_958 : i32
      %lt3A_960 = arith.constant 0 : i32
      %lt3A_961 = arith.cmpi slt, %select_n3A_954, %lt3A_960 : i32
      %ne3A_962 = arith.xori %lt3A_959, %lt3A_961 : i1
      %and3A_963 = arith.andi %ne3A_962, %ne3A_957 : i1
      %add3A_964 = arith.addi %rem3A_955, %select_n3A_954 : i32
      %select_n3A_965 = arith.select %and3A_963, %add3A_964, %rem3A_955 : i32
      %eq3A_966 = vector.broadcast %select_n3A_965 : i32 to vector<16xi32>
      %eq3A_967 = arith.cmpi eq, %iota3A, %eq3A_966 : vector<16xi32>
      %jit3A_968 = arith.constant 0.000000e+00 : f32
      %broadcast_in_dim3A_969 = vector.broadcast %jit3A_968 : f32 to vector<16xf32>
      %select_n3A_970 = arith.select %eq3A_967, %get3A_949, %broadcast_in_dim3A_969 : vector<16xi1>, vector<16xf32>
      %add3A_971 = arith.addf %add3A_914, %select_n3A_970 : vector<16xf32>
      %slice3A_972 = vector.extract_strided_slice %get3A_800 {offsets = [3], sizes = [1], strides = [1]} : vector<16xi32> to vector<1xi32>
      %squeeze3A_973 = vector.extract %slice3A_972[0] : i32 from vector<1xi32>
      %jit3A_974 = arith.constant 16 : i32
      %div3A_975 = arith.divsi %squeeze3A_973, %jit3A_974 : i32
      %sign3A_976 = arith.constant 0 : i32
      %sign3A_977 = arith.cmpi sgt, %squeeze3A_973, %sign3A_976 : i32
      %sign3A_978 = arith.extui %sign3A_977 : i1 to i32
      %sign3A_979 = arith.constant 0 : i32
      %sign3A_980 = arith.cmpi slt, %squeeze3A_973, %sign3A_979 : i32
      %sign3A_981 = arith.extui %sign3A_980 : i1 to i32
      %sign3A_982 = arith.subi %sign3A_978, %sign3A_981 : i32
      %sign3A_983 = arith.constant 0 : i32
      %sign3A_984 = arith.cmpi sgt, %jit3A_974, %sign3A_983 : i32
      %sign3A_985 = arith.extui %sign3A_984 : i1 to i32
      %sign3A_986 = arith.constant 0 : i32
      %sign3A_987 = arith.cmpi slt, %jit3A_974, %sign3A_986 : i32
      %sign3A_988 = arith.extui %sign3A_987 : i1 to i32
      %sign3A_989 = arith.subi %sign3A_985, %sign3A_988 : i32
      %ne3A_990 = arith.cmpi ne, %sign3A_982, %sign3A_989 : i32
      %rem3A_991 = arith.remsi %squeeze3A_973, %jit3A_974 : i32
      %ne3A_992 = arith.constant 0 : i32
      %ne3A_993 = arith.cmpi ne, %rem3A_991, %ne3A_992 : i32
      %and3A_994 = arith.andi %ne3A_990, %ne3A_993 : i1
      %sub3A_995 = arith.constant 1 : i32
      %sub3A_996 = arith.subi %div3A_975, %sub3A_995 : i32
      %select_n3A_997 = arith.select %and3A_994, %sub3A_996, %div3A_975 : i32
      %mul3A_998 = arith.constant 16 : i32
      %mul3A_999 = arith.muli %select_n3A_997, %mul3A_998 : i32
      %get3A_1000 = arith.constant 1 : i32
      %get3A_1001 = arith.constant 3 : i32
      %get3A_1002 = arith.index_cast %get3A_1000 : i32 to index
      %get3A_1003 = arith.index_cast %get3A_1001 : i32 to index
      %get3A_1004 = arith.index_cast %mul3A_999 : i32 to index
      %get3A_1005 = tpu.vector_load %arg9[%get3A_1002, %get3A_1003, %get3A_1004] {strides = array<i32>} : memref<2x4x8192xf32, #tpu.memory_space<vmem>>, vector<1x1x16xf32>,
      %get3A_1006 = vector.shape_cast %get3A_1005 : vector<1x1x16xf32> to vector<16xf32>
      %jit3A_1007 = arith.constant 16 : i32
      %eq3A_1008 = arith.constant 0 : i32
      %eq3A_1009 = arith.cmpi eq, %jit3A_1007, %eq3A_1008 : i32
      %jit3A_1010 = arith.constant 1 : i32
      %select_n3A_1011 = arith.select %eq3A_1009, %jit3A_1010, %jit3A_1007 : i32
      %rem3A_1012 = arith.remsi %squeeze3A_973, %select_n3A_1011 : i32
      %ne3A_1013 = arith.constant 0 : i32
      %ne3A_1014 = arith.cmpi ne, %rem3A_1012, %ne3A_1013 : i32
      %lt3A_1015 = arith.constant 0 : i32
      %lt3A_1016 = arith.cmpi slt, %rem3A_1012, %lt3A_1015 : i32
      %lt3A_1017 = arith.constant 0 : i32
      %lt3A_1018 = arith.cmpi slt, %select_n3A_1011, %lt3A_1017 : i32
      %ne3A_1019 = arith.xori %lt3A_1016, %lt3A_1018 : i1
      %and3A_1020 = arith.andi %ne3A_1019, %ne3A_1014 : i1
      %add3A_1021 = arith.addi %rem3A_1012, %select_n3A_1011 : i32
      %select_n3A_1022 = arith.select %and3A_1020, %add3A_1021, %rem3A_1012 : i32
      %eq3A_1023 = vector.broadcast %select_n3A_1022 : i32 to vector<16xi32>
      %eq3A_1024 = arith.cmpi eq, %iota3A, %eq3A_1023 : vector<16xi32>
      %jit3A_1025 = arith.constant 0.000000e+00 : f32
      %broadcast_in_dim3A_1026 = vector.broadcast %jit3A_1025 : f32 to vector<16xf32>
      %select_n3A_1027 = arith.select %eq3A_1024, %get3A_1006, %broadcast_in_dim3A_1026 : vector<16xi1>, vector<16xf32>
      %add3A_1028 = arith.addf %add3A_971, %select_n3A_1027 : vector<16xf32>
      %mul3A_1029 = arith.constant 4 : i32
      %mul3A_1030 = arith.muli %add3A_785, %mul3A_1029 : i32
      %add3A_1031 = arith.addi %mul3A_2, %mul3A_1030 : i32
      %run_scoped3A_1032 = arith.constant 1 : i32
      "tpu.region"() ({
        %run_scoped3A_1048 = tpu.sem_alloc : memref<!tpu.dma_semaphore, #tpu.memory_space<semaphore_mem>>
        %dma_start3A_1049 = arith.constant 0 : i32
        %dma_start3A_1050 = arith.constant 0 : i32
        %dma_start3A_1051 = tpu.memref_slice %arg9[%run_scoped3A_1032, %dma_start3A_1049, %dma_start3A_1050] : memref<2x4x8192xf32, #tpu.memory_space<vmem>> -> memref<1x4x8192xf32, #tpu.memory_space<vmem>>
        %dma_start3A_1052 = tpu.memref_squeeze %dma_start3A_1051 : memref<1x4x8192xf32, #tpu.memory_space<vmem>> -> memref<4x8192xf32, #tpu.memory_space<vmem>>
        %dma_start3A_1053 = arith.constant 0 : i32
        %dma_start3A_1054 = tpu.memref_slice %arg5[%add3A_1031, %dma_start3A_1053] : memref<8192x8192xf32, #tpu.memory_space<hbm>> -> memref<4x8192xf32, #tpu.memory_space<hbm>>
        %dma_start3A_1055 = arith.constant 0 : i32
        %dma_start3A_1056 = tpu.memref_slice %arg5[%add3A_1031, %dma_start3A_1055] : memref<8192x8192xf32, #tpu.memory_space<hbm>> -> memref<4x8192xf32, #tpu.memory_space<hbm>>
        %dma_start3A_1057 = arith.constant 0 : i32
        %dma_start3A_1058 = arith.constant 0 : i32
        %dma_start3A_1059 = tpu.memref_slice %arg9[%run_scoped3A_1032, %dma_start3A_1057, %dma_start3A_1058] : memref<2x4x8192xf32, #tpu.memory_space<vmem>> -> memref<1x4x8192xf32, #tpu.memory_space<vmem>>
        %dma_start3A_1060 = tpu.memref_squeeze %dma_start3A_1059 : memref<1x4x8192xf32, #tpu.memory_space<vmem>> -> memref<4x8192xf32, #tpu.memory_space<vmem>>
        tpu.enqueue_dma source(%dma_start3A_1060 : memref<4x8192xf32, #tpu.memory_space<vmem>>) target(%dma_start3A_1056 : memref<4x8192xf32, #tpu.memory_space<hbm>>) target_semaphore(%run_scoped3A_1048 : memref<!tpu.dma_semaphore, #tpu.memory_space<semaphore_mem>>)
        %dma_wait3A_1061 = arith.constant 0 : i32
        %dma_wait3A_1062 = arith.constant 0 : i32
        %dma_wait3A_1063 = tpu.memref_slice %arg9[%run_scoped3A_1032, %dma_wait3A_1061, %dma_wait3A_1062] : memref<2x4x8192xf32, #tpu.memory_space<vmem>> -> memref<1x4x8192xf32, #tpu.memory_space<vmem>>
        %dma_wait3A_1064 = tpu.memref_squeeze %dma_wait3A_1063 : memref<1x4x8192xf32, #tpu.memory_space<vmem>> -> memref<4x8192xf32, #tpu.memory_space<vmem>>
        %dma_wait3A_1065 = arith.constant 0 : i32
        %dma_wait3A_1066 = tpu.memref_slice %arg5[%add3A_1031, %dma_wait3A_1065] : memref<8192x8192xf32, #tpu.memory_space<hbm>> -> memref<4x8192xf32, #tpu.memory_space<hbm>>
        %dma_wait3A_1067 = arith.constant 0 : i32
        %dma_wait3A_1068 = tpu.memref_slice %arg5[%add3A_1031, %dma_wait3A_1067] : memref<8192x8192xf32, #tpu.memory_space<hbm>> -> memref<4x8192xf32, #tpu.memory_space<hbm>>
        %dma_wait3A_1069 = arith.constant 0 : i32
        %dma_wait3A_1070 = arith.constant 0 : i32
        %dma_wait3A_1071 = tpu.memref_slice %arg9[%run_scoped3A_1032, %dma_wait3A_1069, %dma_wait3A_1070] : memref<2x4x8192xf32, #tpu.memory_space<vmem>> -> memref<1x4x8192xf32, #tpu.memory_space<vmem>>
        %dma_wait3A_1072 = tpu.memref_squeeze %dma_wait3A_1071 : memref<1x4x8192xf32, #tpu.memory_space<vmem>> -> memref<4x8192xf32, #tpu.memory_space<vmem>>
        tpu.wait_dma2 semaphore(%run_scoped3A_1048 : memref<!tpu.dma_semaphore, #tpu.memory_space<semaphore_mem>>) src(%dma_wait3A_1072 : memref<4x8192xf32, #tpu.memory_space<vmem>>) dst(%dma_wait3A_1068 : memref<4x8192xf32, #tpu.memory_space<hbm>>)
        tpu.yield
      }) : () -> ()
      %mul3A_1033 = arith.constant 2 : i32
      %mul3A_1034 = arith.muli %mul3A_1033, %scan3A_516 : i32
      %add3A_1035 = arith.constant 3 : i32
      %add3A_1036 = arith.addi %mul3A_1034, %add3A_1035 : i32
      %dma_start3A_1037 = arith.constant 1 : i32
      %dma_start3A_1038 = arith.constant 0 : i32
      %dma_start3A_1039 = arith.constant 0 : i32
      %dma_start3A_1040 = tpu.memref_slice %arg9[%dma_start3A_1037, %dma_start3A_1038, %dma_start3A_1039] : memref<2x4x8192xf32, #tpu.memory_space<vmem>> -> memref<1x4x8192xf32, #tpu.memory_space<vmem>>
      %dma_start3A_1041 = tpu.memref_squeeze %dma_start3A_1040 : memref<1x4x8192xf32, #tpu.memory_space<vmem>> -> memref<4x8192xf32, #tpu.memory_space<vmem>>
      %dma_start3A_1042 = arith.constant 0 : i32
      %dma_start3A_1043 = tpu.memref_slice %arg7[%add3A_1036, %dma_start3A_1042] : memref<64x4xi32, #tpu.memory_space<vmem>> -> memref<1x4xi32, #tpu.memory_space<vmem>>
      %dma_start3A_1044 = tpu.memref_squeeze %dma_start3A_1043 : memref<1x4xi32, #tpu.memory_space<vmem>> -> memref<4xi32, #tpu.memory_space<vmem>>
      %dma_start3A_1045 = arith.constant 0 : i32
      %dma_start3A_1046 = arith.constant 0 : i32
      %dma_start3A_1047 = tpu.memref_slice %arg2[%dma_start3A_1045, %dma_start3A_1046] : memref<8192x8192xf32, #tpu.memory_space<hbm>> -> memref<8192x8192xf32, #tpu.memory_space<hbm>>
      tpu.enqueue_indirect_dma source(%dma_start3A_1047 : memref<8192x8192xf32, #tpu.memory_space<hbm>>) target(%dma_start3A_1041 : memref<4x8192xf32, #tpu.memory_space<vmem>>) offsets(%dma_start3A_1044 : memref<4xi32, #tpu.memory_space<vmem>>) semaphore(%arg12 : memref<!tpu.dma_semaphore, #tpu.memory_space<semaphore_mem>>)
      scf.yield %add3A_1028 : vector<16xf32>
    }
    %scan3A_31 = arith.constant 31 : i32
    %dma_wait3A = arith.constant 62 : i32
    %dma_wait3A_32 = arith.constant 0 : i32
    %dma_wait3A_33 = arith.constant 0 : i32
    %dma_wait3A_34 = arith.constant 0 : i32
    %dma_wait3A_35 = tpu.memref_slice %arg9[%dma_wait3A_32, %dma_wait3A_33, %dma_wait3A_34] : memref<2x4x8192xf32, #tpu.memory_space<vmem>> -> memref<1x4x8192xf32, #tpu.memory_space<vmem>>
    %dma_wait3A_36 = tpu.memref_squeeze %dma_wait3A_35 : memref<1x4x8192xf32, #tpu.memory_space<vmem>> -> memref<4x8192xf32, #tpu.memory_space<vmem>>
    %dma_wait3A_37 = arith.constant 0 : i32
    %dma_wait3A_38 = tpu.memref_slice %arg7[%dma_wait3A, %dma_wait3A_37] : memref<64x4xi32, #tpu.memory_space<vmem>> -> memref<1x4xi32, #tpu.memory_space<vmem>>
    %dma_wait3A_39 = tpu.memref_squeeze %dma_wait3A_38 : memref<1x4xi32, #tpu.memory_space<vmem>> -> memref<4xi32, #tpu.memory_space<vmem>>
    %dma_wait3A_40 = arith.constant 0 : i32
    %dma_wait3A_41 = arith.constant 0 : i32
    %dma_wait3A_42 = tpu.memref_slice %arg2[%dma_wait3A_40, %dma_wait3A_41] : memref<8192x8192xf32, #tpu.memory_space<hbm>> -> memref<8192x8192xf32, #tpu.memory_space<hbm>>
    tpu.wait_indirect_dma semaphore(%arg11 : memref<!tpu.dma_semaphore, #tpu.memory_space<semaphore_mem>>) src(%dma_wait3A_42 : memref<8192x8192xf32, #tpu.memory_space<hbm>>) dst(%dma_wait3A_36 : memref<4x8192xf32, #tpu.memory_space<vmem>>)
    %get3A = arith.constant 62 : i32
    %get3A_43 = arith.index_cast %get3A : i32 to index
    %get3A_44 = arith.constant 0 : index
    %get3A_45 = tpu.vector_load %arg8[%get3A_43, %get3A_44] {strides = array<i32>} : memref<64x16xi32, #tpu.memory_space<vmem>>, vector<1x16xi32>,
    %get3A_46 = vector.shape_cast %get3A_45 : vector<1x16xi32> to vector<16xi32>
    %slice3A = vector.extract_strided_slice %get3A_46 {offsets = [0], sizes = [1], strides = [1]} : vector<16xi32> to vector<1xi32>
    %squeeze3A = vector.extract %slice3A[0] : i32 from vector<1xi32>
    %jit3A = arith.constant 16 : i32
    %div3A = arith.divsi %squeeze3A, %jit3A : i32
    %sign3A = arith.constant 0 : i32
    %sign3A_47 = arith.cmpi sgt, %squeeze3A, %sign3A : i32
    %sign3A_48 = arith.extui %sign3A_47 : i1 to i32
    %sign3A_49 = arith.constant 0 : i32
    %sign3A_50 = arith.cmpi slt, %squeeze3A, %sign3A_49 : i32
    %sign3A_51 = arith.extui %sign3A_50 : i1 to i32
    %sign3A_52 = arith.subi %sign3A_48, %sign3A_51 : i32
    %sign3A_53 = arith.constant 0 : i32
    %sign3A_54 = arith.cmpi sgt, %jit3A, %sign3A_53 : i32
    %sign3A_55 = arith.extui %sign3A_54 : i1 to i32
    %sign3A_56 = arith.constant 0 : i32
    %sign3A_57 = arith.cmpi slt, %jit3A, %sign3A_56 : i32
    %sign3A_58 = arith.extui %sign3A_57 : i1 to i32
    %sign3A_59 = arith.subi %sign3A_55, %sign3A_58 : i32
    %ne3A = arith.cmpi ne, %sign3A_52, %sign3A_59 : i32
    %rem3A = arith.remsi %squeeze3A, %jit3A : i32
    %ne3A_60 = arith.constant 0 : i32
    %ne3A_61 = arith.cmpi ne, %rem3A, %ne3A_60 : i32
    %and3A = arith.andi %ne3A, %ne3A_61 : i1
    %sub3A = arith.constant 1 : i32
    %sub3A_62 = arith.subi %div3A, %sub3A : i32
    %select_n3A = arith.select %and3A, %sub3A_62, %div3A : i32
    %mul3A_63 = arith.constant 16 : i32
    %mul3A_64 = arith.muli %select_n3A, %mul3A_63 : i32
    %get3A_65 = arith.constant 0 : i32
    %get3A_66 = arith.constant 0 : i32
    %get3A_67 = arith.index_cast %get3A_65 : i32 to index
    %get3A_68 = arith.index_cast %get3A_66 : i32 to index
    %get3A_69 = arith.index_cast %mul3A_64 : i32 to index
    %get3A_70 = tpu.vector_load %arg9[%get3A_67, %get3A_68, %get3A_69] {strides = array<i32>} : memref<2x4x8192xf32, #tpu.memory_space<vmem>>, vector<1x1x16xf32>,
    %get3A_71 = vector.shape_cast %get3A_70 : vector<1x1x16xf32> to vector<16xf32>
    %jit3A_72 = arith.constant 16 : i32
    %eq3A = arith.constant 0 : i32
    %eq3A_73 = arith.cmpi eq, %jit3A_72, %eq3A : i32
    %jit3A_74 = arith.constant 1 : i32
    %select_n3A_75 = arith.select %eq3A_73, %jit3A_74, %jit3A_72 : i32
    %rem3A_76 = arith.remsi %squeeze3A, %select_n3A_75 : i32
    %ne3A_77 = arith.constant 0 : i32
    %ne3A_78 = arith.cmpi ne, %rem3A_76, %ne3A_77 : i32
    %lt3A = arith.constant 0 : i32
    %lt3A_79 = arith.cmpi slt, %rem3A_76, %lt3A : i32
    %lt3A_80 = arith.constant 0 : i32
    %lt3A_81 = arith.cmpi slt, %select_n3A_75, %lt3A_80 : i32
    %ne3A_82 = arith.xori %lt3A_79, %lt3A_81 : i1
    %and3A_83 = arith.andi %ne3A_82, %ne3A_78 : i1
    %add3A_84 = arith.addi %rem3A_76, %select_n3A_75 : i32
    %select_n3A_85 = arith.select %and3A_83, %add3A_84, %rem3A_76 : i32
    %eq3A_86 = vector.broadcast %select_n3A_85 : i32 to vector<16xi32>
    %eq3A_87 = arith.cmpi eq, %iota3A, %eq3A_86 : vector<16xi32>
    %jit3A_88 = arith.constant 0.000000e+00 : f32
    %broadcast_in_dim3A_89 = vector.broadcast %jit3A_88 : f32 to vector<16xf32>
    %select_n3A_90 = arith.select %eq3A_87, %get3A_71, %broadcast_in_dim3A_89 : vector<16xi1>, vector<16xf32>
    %add3A_91 = arith.addf %scan3A_30, %select_n3A_90 : vector<16xf32>
    %slice3A_92 = vector.extract_strided_slice %get3A_46 {offsets = [1], sizes = [1], strides = [1]} : vector<16xi32> to vector<1xi32>
    %squeeze3A_93 = vector.extract %slice3A_92[0] : i32 from vector<1xi32>
    %jit3A_94 = arith.constant 16 : i32
    %div3A_95 = arith.divsi %squeeze3A_93, %jit3A_94 : i32
    %sign3A_96 = arith.constant 0 : i32
    %sign3A_97 = arith.cmpi sgt, %squeeze3A_93, %sign3A_96 : i32
    %sign3A_98 = arith.extui %sign3A_97 : i1 to i32
    %sign3A_99 = arith.constant 0 : i32
    %sign3A_100 = arith.cmpi slt, %squeeze3A_93, %sign3A_99 : i32
    %sign3A_101 = arith.extui %sign3A_100 : i1 to i32
    %sign3A_102 = arith.subi %sign3A_98, %sign3A_101 : i32
    %sign3A_103 = arith.constant 0 : i32
    %sign3A_104 = arith.cmpi sgt, %jit3A_94, %sign3A_103 : i32
    %sign3A_105 = arith.extui %sign3A_104 : i1 to i32
    %sign3A_106 = arith.constant 0 : i32
    %sign3A_107 = arith.cmpi slt, %jit3A_94, %sign3A_106 : i32
    %sign3A_108 = arith.extui %sign3A_107 : i1 to i32
    %sign3A_109 = arith.subi %sign3A_105, %sign3A_108 : i32
    %ne3A_110 = arith.cmpi ne, %sign3A_102, %sign3A_109 : i32
    %rem3A_111 = arith.remsi %squeeze3A_93, %jit3A_94 : i32
    %ne3A_112 = arith.constant 0 : i32
    %ne3A_113 = arith.cmpi ne, %rem3A_111, %ne3A_112 : i32
    %and3A_114 = arith.andi %ne3A_110, %ne3A_113 : i1
    %sub3A_115 = arith.constant 1 : i32
    %sub3A_116 = arith.subi %div3A_95, %sub3A_115 : i32
    %select_n3A_117 = arith.select %and3A_114, %sub3A_116, %div3A_95 : i32
    %mul3A_118 = arith.constant 16 : i32
    %mul3A_119 = arith.muli %select_n3A_117, %mul3A_118 : i32
    %get3A_120 = arith.constant 0 : i32
    %get3A_121 = arith.constant 1 : i32
    %get3A_122 = arith.index_cast %get3A_120 : i32 to index
    %get3A_123 = arith.index_cast %get3A_121 : i32 to index
    %get3A_124 = arith.index_cast %mul3A_119 : i32 to index
    %get3A_125 = tpu.vector_load %arg9[%get3A_122, %get3A_123, %get3A_124] {strides = array<i32>} : memref<2x4x8192xf32, #tpu.memory_space<vmem>>, vector<1x1x16xf32>,
    %get3A_126 = vector.shape_cast %get3A_125 : vector<1x1x16xf32> to vector<16xf32>
    %jit3A_127 = arith.constant 16 : i32
    %eq3A_128 = arith.constant 0 : i32
    %eq3A_129 = arith.cmpi eq, %jit3A_127, %eq3A_128 : i32
    %jit3A_130 = arith.constant 1 : i32
    %select_n3A_131 = arith.select %eq3A_129, %jit3A_130, %jit3A_127 : i32
    %rem3A_132 = arith.remsi %squeeze3A_93, %select_n3A_131 : i32
    %ne3A_133 = arith.constant 0 : i32
    %ne3A_134 = arith.cmpi ne, %rem3A_132, %ne3A_133 : i32
    %lt3A_135 = arith.constant 0 : i32
    %lt3A_136 = arith.cmpi slt, %rem3A_132, %lt3A_135 : i32
    %lt3A_137 = arith.constant 0 : i32
    %lt3A_138 = arith.cmpi slt, %select_n3A_131, %lt3A_137 : i32
    %ne3A_139 = arith.xori %lt3A_136, %lt3A_138 : i1
    %and3A_140 = arith.andi %ne3A_139, %ne3A_134 : i1
    %add3A_141 = arith.addi %rem3A_132, %select_n3A_131 : i32
    %select_n3A_142 = arith.select %and3A_140, %add3A_141, %rem3A_132 : i32
    %eq3A_143 = vector.broadcast %select_n3A_142 : i32 to vector<16xi32>
    %eq3A_144 = arith.cmpi eq, %iota3A, %eq3A_143 : vector<16xi32>
    %jit3A_145 = arith.constant 0.000000e+00 : f32
    %broadcast_in_dim3A_146 = vector.broadcast %jit3A_145 : f32 to vector<16xf32>
    %select_n3A_147 = arith.select %eq3A_144, %get3A_126, %broadcast_in_dim3A_146 : vector<16xi1>, vector<16xf32>
    %add3A_148 = arith.addf %add3A_91, %select_n3A_147 : vector<16xf32>
    %slice3A_149 = vector.extract_strided_slice %get3A_46 {offsets = [2], sizes = [1], strides = [1]} : vector<16xi32> to vector<1xi32>
    %squeeze3A_150 = vector.extract %slice3A_149[0] : i32 from vector<1xi32>
    %jit3A_151 = arith.constant 16 : i32
    %div3A_152 = arith.divsi %squeeze3A_150, %jit3A_151 : i32
    %sign3A_153 = arith.constant 0 : i32
    %sign3A_154 = arith.cmpi sgt, %squeeze3A_150, %sign3A_153 : i32
    %sign3A_155 = arith.extui %sign3A_154 : i1 to i32
    %sign3A_156 = arith.constant 0 : i32
    %sign3A_157 = arith.cmpi slt, %squeeze3A_150, %sign3A_156 : i32
    %sign3A_158 = arith.extui %sign3A_157 : i1 to i32
    %sign3A_159 = arith.subi %sign3A_155, %sign3A_158 : i32
    %sign3A_160 = arith.constant 0 : i32
    %sign3A_161 = arith.cmpi sgt, %jit3A_151, %sign3A_160 : i32
    %sign3A_162 = arith.extui %sign3A_161 : i1 to i32
    %sign3A_163 = arith.constant 0 : i32
    %sign3A_164 = arith.cmpi slt, %jit3A_151, %sign3A_163 : i32
    %sign3A_165 = arith.extui %sign3A_164 : i1 to i32
    %sign3A_166 = arith.subi %sign3A_162, %sign3A_165 : i32
    %ne3A_167 = arith.cmpi ne, %sign3A_159, %sign3A_166 : i32
    %rem3A_168 = arith.remsi %squeeze3A_150, %jit3A_151 : i32
    %ne3A_169 = arith.constant 0 : i32
    %ne3A_170 = arith.cmpi ne, %rem3A_168, %ne3A_169 : i32
    %and3A_171 = arith.andi %ne3A_167, %ne3A_170 : i1
    %sub3A_172 = arith.constant 1 : i32
    %sub3A_173 = arith.subi %div3A_152, %sub3A_172 : i32
    %select_n3A_174 = arith.select %and3A_171, %sub3A_173, %div3A_152 : i32
    %mul3A_175 = arith.constant 16 : i32
    %mul3A_176 = arith.muli %select_n3A_174, %mul3A_175 : i32
    %get3A_177 = arith.constant 0 : i32
    %get3A_178 = arith.constant 2 : i32
    %get3A_179 = arith.index_cast %get3A_177 : i32 to index
    %get3A_180 = arith.index_cast %get3A_178 : i32 to index
    %get3A_181 = arith.index_cast %mul3A_176 : i32 to index
    %get3A_182 = tpu.vector_load %arg9[%get3A_179, %get3A_180, %get3A_181] {strides = array<i32>} : memref<2x4x8192xf32, #tpu.memory_space<vmem>>, vector<1x1x16xf32>,
    %get3A_183 = vector.shape_cast %get3A_182 : vector<1x1x16xf32> to vector<16xf32>
    %jit3A_184 = arith.constant 16 : i32
    %eq3A_185 = arith.constant 0 : i32
    %eq3A_186 = arith.cmpi eq, %jit3A_184, %eq3A_185 : i32
    %jit3A_187 = arith.constant 1 : i32
    %select_n3A_188 = arith.select %eq3A_186, %jit3A_187, %jit3A_184 : i32
    %rem3A_189 = arith.remsi %squeeze3A_150, %select_n3A_188 : i32
    %ne3A_190 = arith.constant 0 : i32
    %ne3A_191 = arith.cmpi ne, %rem3A_189, %ne3A_190 : i32
    %lt3A_192 = arith.constant 0 : i32
    %lt3A_193 = arith.cmpi slt, %rem3A_189, %lt3A_192 : i32
    %lt3A_194 = arith.constant 0 : i32
    %lt3A_195 = arith.cmpi slt, %select_n3A_188, %lt3A_194 : i32
    %ne3A_196 = arith.xori %lt3A_193, %lt3A_195 : i1
    %and3A_197 = arith.andi %ne3A_196, %ne3A_191 : i1
    %add3A_198 = arith.addi %rem3A_189, %select_n3A_188 : i32
    %select_n3A_199 = arith.select %and3A_197, %add3A_198, %rem3A_189 : i32
    %eq3A_200 = vector.broadcast %select_n3A_199 : i32 to vector<16xi32>
    %eq3A_201 = arith.cmpi eq, %iota3A, %eq3A_200 : vector<16xi32>
    %jit3A_202 = arith.constant 0.000000e+00 : f32
    %broadcast_in_dim3A_203 = vector.broadcast %jit3A_202 : f32 to vector<16xf32>
    %select_n3A_204 = arith.select %eq3A_201, %get3A_183, %broadcast_in_dim3A_203 : vector<16xi1>, vector<16xf32>
    %add3A_205 = arith.addf %add3A_148, %select_n3A_204 : vector<16xf32>
    %slice3A_206 = vector.extract_strided_slice %get3A_46 {offsets = [3], sizes = [1], strides = [1]} : vector<16xi32> to vector<1xi32>
    %squeeze3A_207 = vector.extract %slice3A_206[0] : i32 from vector<1xi32>
    %jit3A_208 = arith.constant 16 : i32
    %div3A_209 = arith.divsi %squeeze3A_207, %jit3A_208 : i32
    %sign3A_210 = arith.constant 0 : i32
    %sign3A_211 = arith.cmpi sgt, %squeeze3A_207, %sign3A_210 : i32
    %sign3A_212 = arith.extui %sign3A_211 : i1 to i32
    %sign3A_213 = arith.constant 0 : i32
    %sign3A_214 = arith.cmpi slt, %squeeze3A_207, %sign3A_213 : i32
    %sign3A_215 = arith.extui %sign3A_214 : i1 to i32
    %sign3A_216 = arith.subi %sign3A_212, %sign3A_215 : i32
    %sign3A_217 = arith.constant 0 : i32
    %sign3A_218 = arith.cmpi sgt, %jit3A_208, %sign3A_217 : i32
    %sign3A_219 = arith.extui %sign3A_218 : i1 to i32
    %sign3A_220 = arith.constant 0 : i32
    %sign3A_221 = arith.cmpi slt, %jit3A_208, %sign3A_220 : i32
    %sign3A_222 = arith.extui %sign3A_221 : i1 to i32
    %sign3A_223 = arith.subi %sign3A_219, %sign3A_222 : i32
    %ne3A_224 = arith.cmpi ne, %sign3A_216, %sign3A_223 : i32
    %rem3A_225 = arith.remsi %squeeze3A_207, %jit3A_208 : i32
    %ne3A_226 = arith.constant 0 : i32
    %ne3A_227 = arith.cmpi ne, %rem3A_225, %ne3A_226 : i32
    %and3A_228 = arith.andi %ne3A_224, %ne3A_227 : i1
    %sub3A_229 = arith.constant 1 : i32
    %sub3A_230 = arith.subi %div3A_209, %sub3A_229 : i32
    %select_n3A_231 = arith.select %and3A_228, %sub3A_230, %div3A_209 : i32
    %mul3A_232 = arith.constant 16 : i32
    %mul3A_233 = arith.muli %select_n3A_231, %mul3A_232 : i32
    %get3A_234 = arith.constant 0 : i32
    %get3A_235 = arith.constant 3 : i32
    %get3A_236 = arith.index_cast %get3A_234 : i32 to index
    %get3A_237 = arith.index_cast %get3A_235 : i32 to index
    %get3A_238 = arith.index_cast %mul3A_233 : i32 to index
    %get3A_239 = tpu.vector_load %arg9[%get3A_236, %get3A_237, %get3A_238] {strides = array<i32>} : memref<2x4x8192xf32, #tpu.memory_space<vmem>>, vector<1x1x16xf32>,
    %get3A_240 = vector.shape_cast %get3A_239 : vector<1x1x16xf32> to vector<16xf32>
    %jit3A_241 = arith.constant 16 : i32
    %eq3A_242 = arith.constant 0 : i32
    %eq3A_243 = arith.cmpi eq, %jit3A_241, %eq3A_242 : i32
    %jit3A_244 = arith.constant 1 : i32
    %select_n3A_245 = arith.select %eq3A_243, %jit3A_244, %jit3A_241 : i32
    %rem3A_246 = arith.remsi %squeeze3A_207, %select_n3A_245 : i32
    %ne3A_247 = arith.constant 0 : i32
    %ne3A_248 = arith.cmpi ne, %rem3A_246, %ne3A_247 : i32
    %lt3A_249 = arith.constant 0 : i32
    %lt3A_250 = arith.cmpi slt, %rem3A_246, %lt3A_249 : i32
    %lt3A_251 = arith.constant 0 : i32
    %lt3A_252 = arith.cmpi slt, %select_n3A_245, %lt3A_251 : i32
    %ne3A_253 = arith.xori %lt3A_250, %lt3A_252 : i1
    %and3A_254 = arith.andi %ne3A_253, %ne3A_248 : i1
    %add3A_255 = arith.addi %rem3A_246, %select_n3A_245 : i32
    %select_n3A_256 = arith.select %and3A_254, %add3A_255, %rem3A_246 : i32
    %eq3A_257 = vector.broadcast %select_n3A_256 : i32 to vector<16xi32>
    %eq3A_258 = arith.cmpi eq, %iota3A, %eq3A_257 : vector<16xi32>
    %jit3A_259 = arith.constant 0.000000e+00 : f32
    %broadcast_in_dim3A_260 = vector.broadcast %jit3A_259 : f32 to vector<16xf32>
    %select_n3A_261 = arith.select %eq3A_258, %get3A_240, %broadcast_in_dim3A_260 : vector<16xi1>, vector<16xf32>
    %add3A_262 = arith.addf %add3A_205, %select_n3A_261 : vector<16xf32>
    %add3A_263 = arith.constant 248 : i32
    %add3A_264 = arith.addi %mul3A_2, %add3A_263 : i32
    %run_scoped3A = arith.constant 0 : i32
    "tpu.region"() ({
      %run_scoped3A_516 = tpu.sem_alloc : memref<!tpu.dma_semaphore, #tpu.memory_space<semaphore_mem>>
      %dma_start3A_517 = arith.constant 0 : i32
      %dma_start3A_518 = arith.constant 0 : i32
      %dma_start3A_519 = tpu.memref_slice %arg9[%run_scoped3A, %dma_start3A_517, %dma_start3A_518] : memref<2x4x8192xf32, #tpu.memory_space<vmem>> -> memref<1x4x8192xf32, #tpu.memory_space<vmem>>
      %dma_start3A_520 = tpu.memref_squeeze %dma_start3A_519 : memref<1x4x8192xf32, #tpu.memory_space<vmem>> -> memref<4x8192xf32, #tpu.memory_space<vmem>>
      %dma_start3A_521 = arith.constant 0 : i32
      %dma_start3A_522 = tpu.memref_slice %arg5[%add3A_264, %dma_start3A_521] : memref<8192x8192xf32, #tpu.memory_space<hbm>> -> memref<4x8192xf32, #tpu.memory_space<hbm>>
      %dma_start3A_523 = arith.constant 0 : i32
      %dma_start3A_524 = tpu.memref_slice %arg5[%add3A_264, %dma_start3A_523] : memref<8192x8192xf32, #tpu.memory_space<hbm>> -> memref<4x8192xf32, #tpu.memory_space<hbm>>
      %dma_start3A_525 = arith.constant 0 : i32
      %dma_start3A_526 = arith.constant 0 : i32
      %dma_start3A_527 = tpu.memref_slice %arg9[%run_scoped3A, %dma_start3A_525, %dma_start3A_526] : memref<2x4x8192xf32, #tpu.memory_space<vmem>> -> memref<1x4x8192xf32, #tpu.memory_space<vmem>>
      %dma_start3A_528 = tpu.memref_squeeze %dma_start3A_527 : memref<1x4x8192xf32, #tpu.memory_space<vmem>> -> memref<4x8192xf32, #tpu.memory_space<vmem>>
      tpu.enqueue_dma source(%dma_start3A_528 : memref<4x8192xf32, #tpu.memory_space<vmem>>) target(%dma_start3A_524 : memref<4x8192xf32, #tpu.memory_space<hbm>>) target_semaphore(%run_scoped3A_516 : memref<!tpu.dma_semaphore, #tpu.memory_space<semaphore_mem>>)
      %dma_wait3A_529 = arith.constant 0 : i32
      %dma_wait3A_530 = arith.constant 0 : i32
      %dma_wait3A_531 = tpu.memref_slice %arg9[%run_scoped3A, %dma_wait3A_529, %dma_wait3A_530] : memref<2x4x8192xf32, #tpu.memory_space<vmem>> -> memref<1x4x8192xf32, #tpu.memory_space<vmem>>
      %dma_wait3A_532 = tpu.memref_squeeze %dma_wait3A_531 : memref<1x4x8192xf32, #tpu.memory_space<vmem>> -> memref<4x8192xf32, #tpu.memory_space<vmem>>
      %dma_wait3A_533 = arith.constant 0 : i32
      %dma_wait3A_534 = tpu.memref_slice %arg5[%add3A_264, %dma_wait3A_533] : memref<8192x8192xf32, #tpu.memory_space<hbm>> -> memref<4x8192xf32, #tpu.memory_space<hbm>>
      %dma_wait3A_535 = arith.constant 0 : i32
      %dma_wait3A_536 = tpu.memref_slice %arg5[%add3A_264, %dma_wait3A_535] : memref<8192x8192xf32, #tpu.memory_space<hbm>> -> memref<4x8192xf32, #tpu.memory_space<hbm>>
      %dma_wait3A_537 = arith.constant 0 : i32
      %dma_wait3A_538 = arith.constant 0 : i32
      %dma_wait3A_539 = tpu.memref_slice %arg9[%run_scoped3A, %dma_wait3A_537, %dma_wait3A_538] : memref<2x4x8192xf32, #tpu.memory_space<vmem>> -> memref<1x4x8192xf32, #tpu.memory_space<vmem>>
      %dma_wait3A_540 = tpu.memref_squeeze %dma_wait3A_539 : memref<1x4x8192xf32, #tpu.memory_space<vmem>> -> memref<4x8192xf32, #tpu.memory_space<vmem>>
      tpu.wait_dma2 semaphore(%run_scoped3A_516 : memref<!tpu.dma_semaphore, #tpu.memory_space<semaphore_mem>>) src(%dma_wait3A_540 : memref<4x8192xf32, #tpu.memory_space<vmem>>) dst(%dma_wait3A_536 : memref<4x8192xf32, #tpu.memory_space<hbm>>)
      tpu.yield
    }) : () -> ()
    %dma_wait3A_265 = arith.constant 63 : i32
    %dma_wait3A_266 = arith.constant 1 : i32
    %dma_wait3A_267 = arith.constant 0 : i32
    %dma_wait3A_268 = arith.constant 0 : i32
    %dma_wait3A_269 = tpu.memref_slice %arg9[%dma_wait3A_266, %dma_wait3A_267, %dma_wait3A_268] : memref<2x4x8192xf32, #tpu.memory_space<vmem>> -> memref<1x4x8192xf32, #tpu.memory_space<vmem>>
    %dma_wait3A_270 = tpu.memref_squeeze %dma_wait3A_269 : memref<1x4x8192xf32, #tpu.memory_space<vmem>> -> memref<4x8192xf32, #tpu.memory_space<vmem>>
    %dma_wait3A_271 = arith.constant 0 : i32
    %dma_wait3A_272 = tpu.memref_slice %arg7[%dma_wait3A_265, %dma_wait3A_271] : memref<64x4xi32, #tpu.memory_space<vmem>> -> memref<1x4xi32, #tpu.memory_space<vmem>>
    %dma_wait3A_273 = tpu.memref_squeeze %dma_wait3A_272 : memref<1x4xi32, #tpu.memory_space<vmem>> -> memref<4xi32, #tpu.memory_space<vmem>>
    %dma_wait3A_274 = arith.constant 0 : i32
    %dma_wait3A_275 = arith.constant 0 : i32
    %dma_wait3A_276 = tpu.memref_slice %arg2[%dma_wait3A_274, %dma_wait3A_275] : memref<8192x8192xf32, #tpu.memory_space<hbm>> -> memref<8192x8192xf32, #tpu.memory_space<hbm>>
    tpu.wait_indirect_dma semaphore(%arg12 : memref<!tpu.dma_semaphore, #tpu.memory_space<semaphore_mem>>) src(%dma_wait3A_276 : memref<8192x8192xf32, #tpu.memory_space<hbm>>) dst(%dma_wait3A_270 : memref<4x8192xf32, #tpu.memory_space<vmem>>)
    %get3A_277 = arith.constant 63 : i32
    %get3A_278 = arith.index_cast %get3A_277 : i32 to index
    %get3A_279 = arith.constant 0 : index
    %get3A_280 = tpu.vector_load %arg8[%get3A_278, %get3A_279] {strides = array<i32>} : memref<64x16xi32, #tpu.memory_space<vmem>>, vector<1x16xi32>,
    %get3A_281 = vector.shape_cast %get3A_280 : vector<1x16xi32> to vector<16xi32>
    %slice3A_282 = vector.extract_strided_slice %get3A_281 {offsets = [0], sizes = [1], strides = [1]} : vector<16xi32> to vector<1xi32>
    %squeeze3A_283 = vector.extract %slice3A_282[0] : i32 from vector<1xi32>
    %jit3A_284 = arith.constant 16 : i32
    %div3A_285 = arith.divsi %squeeze3A_283, %jit3A_284 : i32
    %sign3A_286 = arith.constant 0 : i32
    %sign3A_287 = arith.cmpi sgt, %squeeze3A_283, %sign3A_286 : i32
    %sign3A_288 = arith.extui %sign3A_287 : i1 to i32
    %sign3A_289 = arith.constant 0 : i32
    %sign3A_290 = arith.cmpi slt, %squeeze3A_283, %sign3A_289 : i32
    %sign3A_291 = arith.extui %sign3A_290 : i1 to i32
    %sign3A_292 = arith.subi %sign3A_288, %sign3A_291 : i32
    %sign3A_293 = arith.constant 0 : i32
    %sign3A_294 = arith.cmpi sgt, %jit3A_284, %sign3A_293 : i32
    %sign3A_295 = arith.extui %sign3A_294 : i1 to i32
    %sign3A_296 = arith.constant 0 : i32
    %sign3A_297 = arith.cmpi slt, %jit3A_284, %sign3A_296 : i32
    %sign3A_298 = arith.extui %sign3A_297 : i1 to i32
    %sign3A_299 = arith.subi %sign3A_295, %sign3A_298 : i32
    %ne3A_300 = arith.cmpi ne, %sign3A_292, %sign3A_299 : i32
    %rem3A_301 = arith.remsi %squeeze3A_283, %jit3A_284 : i32
    %ne3A_302 = arith.constant 0 : i32
    %ne3A_303 = arith.cmpi ne, %rem3A_301, %ne3A_302 : i32
    %and3A_304 = arith.andi %ne3A_300, %ne3A_303 : i1
    %sub3A_305 = arith.constant 1 : i32
    %sub3A_306 = arith.subi %div3A_285, %sub3A_305 : i32
    %select_n3A_307 = arith.select %and3A_304, %sub3A_306, %div3A_285 : i32
    %mul3A_308 = arith.constant 16 : i32
    %mul3A_309 = arith.muli %select_n3A_307, %mul3A_308 : i32
    %get3A_310 = arith.constant 1 : i32
    %get3A_311 = arith.constant 0 : i32
    %get3A_312 = arith.index_cast %get3A_310 : i32 to index
    %get3A_313 = arith.index_cast %get3A_311 : i32 to index
    %get3A_314 = arith.index_cast %mul3A_309 : i32 to index
    %get3A_315 = tpu.vector_load %arg9[%get3A_312, %get3A_313, %get3A_314] {strides = array<i32>} : memref<2x4x8192xf32, #tpu.memory_space<vmem>>, vector<1x1x16xf32>,
    %get3A_316 = vector.shape_cast %get3A_315 : vector<1x1x16xf32> to vector<16xf32>
    %jit3A_317 = arith.constant 16 : i32
    %eq3A_318 = arith.constant 0 : i32
    %eq3A_319 = arith.cmpi eq, %jit3A_317, %eq3A_318 : i32
    %jit3A_320 = arith.constant 1 : i32
    %select_n3A_321 = arith.select %eq3A_319, %jit3A_320, %jit3A_317 : i32
    %rem3A_322 = arith.remsi %squeeze3A_283, %select_n3A_321 : i32
    %ne3A_323 = arith.constant 0 : i32
    %ne3A_324 = arith.cmpi ne, %rem3A_322, %ne3A_323 : i32
    %lt3A_325 = arith.constant 0 : i32
    %lt3A_326 = arith.cmpi slt, %rem3A_322, %lt3A_325 : i32
    %lt3A_327 = arith.constant 0 : i32
    %lt3A_328 = arith.cmpi slt, %select_n3A_321, %lt3A_327 : i32
    %ne3A_329 = arith.xori %lt3A_326, %lt3A_328 : i1
    %and3A_330 = arith.andi %ne3A_329, %ne3A_324 : i1
    %add3A_331 = arith.addi %rem3A_322, %select_n3A_321 : i32
    %select_n3A_332 = arith.select %and3A_330, %add3A_331, %rem3A_322 : i32
    %eq3A_333 = vector.broadcast %select_n3A_332 : i32 to vector<16xi32>
    %eq3A_334 = arith.cmpi eq, %iota3A, %eq3A_333 : vector<16xi32>
    %jit3A_335 = arith.constant 0.000000e+00 : f32
    %broadcast_in_dim3A_336 = vector.broadcast %jit3A_335 : f32 to vector<16xf32>
    %select_n3A_337 = arith.select %eq3A_334, %get3A_316, %broadcast_in_dim3A_336 : vector<16xi1>, vector<16xf32>
    %add3A_338 = arith.addf %add3A_262, %select_n3A_337 : vector<16xf32>
    %slice3A_339 = vector.extract_strided_slice %get3A_281 {offsets = [1], sizes = [1], strides = [1]} : vector<16xi32> to vector<1xi32>
    %squeeze3A_340 = vector.extract %slice3A_339[0] : i32 from vector<1xi32>
    %jit3A_341 = arith.constant 16 : i32
    %div3A_342 = arith.divsi %squeeze3A_340, %jit3A_341 : i32
    %sign3A_343 = arith.constant 0 : i32
    %sign3A_344 = arith.cmpi sgt, %squeeze3A_340, %sign3A_343 : i32
    %sign3A_345 = arith.extui %sign3A_344 : i1 to i32
    %sign3A_346 = arith.constant 0 : i32
    %sign3A_347 = arith.cmpi slt, %squeeze3A_340, %sign3A_346 : i32
    %sign3A_348 = arith.extui %sign3A_347 : i1 to i32
    %sign3A_349 = arith.subi %sign3A_345, %sign3A_348 : i32
    %sign3A_350 = arith.constant 0 : i32
    %sign3A_351 = arith.cmpi sgt, %jit3A_341, %sign3A_350 : i32
    %sign3A_352 = arith.extui %sign3A_351 : i1 to i32
    %sign3A_353 = arith.constant 0 : i32
    %sign3A_354 = arith.cmpi slt, %jit3A_341, %sign3A_353 : i32
    %sign3A_355 = arith.extui %sign3A_354 : i1 to i32
    %sign3A_356 = arith.subi %sign3A_352, %sign3A_355 : i32
    %ne3A_357 = arith.cmpi ne, %sign3A_349, %sign3A_356 : i32
    %rem3A_358 = arith.remsi %squeeze3A_340, %jit3A_341 : i32
    %ne3A_359 = arith.constant 0 : i32
    %ne3A_360 = arith.cmpi ne, %rem3A_358, %ne3A_359 : i32
    %and3A_361 = arith.andi %ne3A_357, %ne3A_360 : i1
    %sub3A_362 = arith.constant 1 : i32
    %sub3A_363 = arith.subi %div3A_342, %sub3A_362 : i32
    %select_n3A_364 = arith.select %and3A_361, %sub3A_363, %div3A_342 : i32
    %mul3A_365 = arith.constant 16 : i32
    %mul3A_366 = arith.muli %select_n3A_364, %mul3A_365 : i32
    %get3A_367 = arith.constant 1 : i32
    %get3A_368 = arith.constant 1 : i32
    %get3A_369 = arith.index_cast %get3A_367 : i32 to index
    %get3A_370 = arith.index_cast %get3A_368 : i32 to index
    %get3A_371 = arith.index_cast %mul3A_366 : i32 to index
    %get3A_372 = tpu.vector_load %arg9[%get3A_369, %get3A_370, %get3A_371] {strides = array<i32>} : memref<2x4x8192xf32, #tpu.memory_space<vmem>>, vector<1x1x16xf32>,
    %get3A_373 = vector.shape_cast %get3A_372 : vector<1x1x16xf32> to vector<16xf32>
    %jit3A_374 = arith.constant 16 : i32
    %eq3A_375 = arith.constant 0 : i32
    %eq3A_376 = arith.cmpi eq, %jit3A_374, %eq3A_375 : i32
    %jit3A_377 = arith.constant 1 : i32
    %select_n3A_378 = arith.select %eq3A_376, %jit3A_377, %jit3A_374 : i32
    %rem3A_379 = arith.remsi %squeeze3A_340, %select_n3A_378 : i32
    %ne3A_380 = arith.constant 0 : i32
    %ne3A_381 = arith.cmpi ne, %rem3A_379, %ne3A_380 : i32
    %lt3A_382 = arith.constant 0 : i32
    %lt3A_383 = arith.cmpi slt, %rem3A_379, %lt3A_382 : i32
    %lt3A_384 = arith.constant 0 : i32
    %lt3A_385 = arith.cmpi slt, %select_n3A_378, %lt3A_384 : i32
    %ne3A_386 = arith.xori %lt3A_383, %lt3A_385 : i1
    %and3A_387 = arith.andi %ne3A_386, %ne3A_381 : i1
    %add3A_388 = arith.addi %rem3A_379, %select_n3A_378 : i32
    %select_n3A_389 = arith.select %and3A_387, %add3A_388, %rem3A_379 : i32
    %eq3A_390 = vector.broadcast %select_n3A_389 : i32 to vector<16xi32>
    %eq3A_391 = arith.cmpi eq, %iota3A, %eq3A_390 : vector<16xi32>
    %jit3A_392 = arith.constant 0.000000e+00 : f32
    %broadcast_in_dim3A_393 = vector.broadcast %jit3A_392 : f32 to vector<16xf32>
    %select_n3A_394 = arith.select %eq3A_391, %get3A_373, %broadcast_in_dim3A_393 : vector<16xi1>, vector<16xf32>
    %add3A_395 = arith.addf %add3A_338, %select_n3A_394 : vector<16xf32>
    %slice3A_396 = vector.extract_strided_slice %get3A_281 {offsets = [2], sizes = [1], strides = [1]} : vector<16xi32> to vector<1xi32>
    %squeeze3A_397 = vector.extract %slice3A_396[0] : i32 from vector<1xi32>
    %jit3A_398 = arith.constant 16 : i32
    %div3A_399 = arith.divsi %squeeze3A_397, %jit3A_398 : i32
    %sign3A_400 = arith.constant 0 : i32
    %sign3A_401 = arith.cmpi sgt, %squeeze3A_397, %sign3A_400 : i32
    %sign3A_402 = arith.extui %sign3A_401 : i1 to i32
    %sign3A_403 = arith.constant 0 : i32
    %sign3A_404 = arith.cmpi slt, %squeeze3A_397, %sign3A_403 : i32
    %sign3A_405 = arith.extui %sign3A_404 : i1 to i32
    %sign3A_406 = arith.subi %sign3A_402, %sign3A_405 : i32
    %sign3A_407 = arith.constant 0 : i32
    %sign3A_408 = arith.cmpi sgt, %jit3A_398, %sign3A_407 : i32
    %sign3A_409 = arith.extui %sign3A_408 : i1 to i32
    %sign3A_410 = arith.constant 0 : i32
    %sign3A_411 = arith.cmpi slt, %jit3A_398, %sign3A_410 : i32
    %sign3A_412 = arith.extui %sign3A_411 : i1 to i32
    %sign3A_413 = arith.subi %sign3A_409, %sign3A_412 : i32
    %ne3A_414 = arith.cmpi ne, %sign3A_406, %sign3A_413 : i32
    %rem3A_415 = arith.remsi %squeeze3A_397, %jit3A_398 : i32
    %ne3A_416 = arith.constant 0 : i32
    %ne3A_417 = arith.cmpi ne, %rem3A_415, %ne3A_416 : i32
    %and3A_418 = arith.andi %ne3A_414, %ne3A_417 : i1
    %sub3A_419 = arith.constant 1 : i32
    %sub3A_420 = arith.subi %div3A_399, %sub3A_419 : i32
    %select_n3A_421 = arith.select %and3A_418, %sub3A_420, %div3A_399 : i32
    %mul3A_422 = arith.constant 16 : i32
    %mul3A_423 = arith.muli %select_n3A_421, %mul3A_422 : i32
    %get3A_424 = arith.constant 1 : i32
    %get3A_425 = arith.constant 2 : i32
    %get3A_426 = arith.index_cast %get3A_424 : i32 to index
    %get3A_427 = arith.index_cast %get3A_425 : i32 to index
    %get3A_428 = arith.index_cast %mul3A_423 : i32 to index
    %get3A_429 = tpu.vector_load %arg9[%get3A_426, %get3A_427, %get3A_428] {strides = array<i32>} : memref<2x4x8192xf32, #tpu.memory_space<vmem>>, vector<1x1x16xf32>,
    %get3A_430 = vector.shape_cast %get3A_429 : vector<1x1x16xf32> to vector<16xf32>
    %jit3A_431 = arith.constant 16 : i32
    %eq3A_432 = arith.constant 0 : i32
    %eq3A_433 = arith.cmpi eq, %jit3A_431, %eq3A_432 : i32
    %jit3A_434 = arith.constant 1 : i32
    %select_n3A_435 = arith.select %eq3A_433, %jit3A_434, %jit3A_431 : i32
    %rem3A_436 = arith.remsi %squeeze3A_397, %select_n3A_435 : i32
    %ne3A_437 = arith.constant 0 : i32
    %ne3A_438 = arith.cmpi ne, %rem3A_436, %ne3A_437 : i32
    %lt3A_439 = arith.constant 0 : i32
    %lt3A_440 = arith.cmpi slt, %rem3A_436, %lt3A_439 : i32
    %lt3A_441 = arith.constant 0 : i32
    %lt3A_442 = arith.cmpi slt, %select_n3A_435, %lt3A_441 : i32
    %ne3A_443 = arith.xori %lt3A_440, %lt3A_442 : i1
    %and3A_444 = arith.andi %ne3A_443, %ne3A_438 : i1
    %add3A_445 = arith.addi %rem3A_436, %select_n3A_435 : i32
    %select_n3A_446 = arith.select %and3A_444, %add3A_445, %rem3A_436 : i32
    %eq3A_447 = vector.broadcast %select_n3A_446 : i32 to vector<16xi32>
    %eq3A_448 = arith.cmpi eq, %iota3A, %eq3A_447 : vector<16xi32>
    %jit3A_449 = arith.constant 0.000000e+00 : f32
    %broadcast_in_dim3A_450 = vector.broadcast %jit3A_449 : f32 to vector<16xf32>
    %select_n3A_451 = arith.select %eq3A_448, %get3A_430, %broadcast_in_dim3A_450 : vector<16xi1>, vector<16xf32>
    %add3A_452 = arith.addf %add3A_395, %select_n3A_451 : vector<16xf32>
    %slice3A_453 = vector.extract_strided_slice %get3A_281 {offsets = [3], sizes = [1], strides = [1]} : vector<16xi32> to vector<1xi32>
    %squeeze3A_454 = vector.extract %slice3A_453[0] : i32 from vector<1xi32>
    %jit3A_455 = arith.constant 16 : i32
    %div3A_456 = arith.divsi %squeeze3A_454, %jit3A_455 : i32
    %sign3A_457 = arith.constant 0 : i32
    %sign3A_458 = arith.cmpi sgt, %squeeze3A_454, %sign3A_457 : i32
    %sign3A_459 = arith.extui %sign3A_458 : i1 to i32
    %sign3A_460 = arith.constant 0 : i32
    %sign3A_461 = arith.cmpi slt, %squeeze3A_454, %sign3A_460 : i32
    %sign3A_462 = arith.extui %sign3A_461 : i1 to i32
    %sign3A_463 = arith.subi %sign3A_459, %sign3A_462 : i32
    %sign3A_464 = arith.constant 0 : i32
    %sign3A_465 = arith.cmpi sgt, %jit3A_455, %sign3A_464 : i32
    %sign3A_466 = arith.extui %sign3A_465 : i1 to i32
    %sign3A_467 = arith.constant 0 : i32
    %sign3A_468 = arith.cmpi slt, %jit3A_455, %sign3A_467 : i32
    %sign3A_469 = arith.extui %sign3A_468 : i1 to i32
    %sign3A_470 = arith.subi %sign3A_466, %sign3A_469 : i32
    %ne3A_471 = arith.cmpi ne, %sign3A_463, %sign3A_470 : i32
    %rem3A_472 = arith.remsi %squeeze3A_454, %jit3A_455 : i32
    %ne3A_473 = arith.constant 0 : i32
    %ne3A_474 = arith.cmpi ne, %rem3A_472, %ne3A_473 : i32
    %and3A_475 = arith.andi %ne3A_471, %ne3A_474 : i1
    %sub3A_476 = arith.constant 1 : i32
    %sub3A_477 = arith.subi %div3A_456, %sub3A_476 : i32
    %select_n3A_478 = arith.select %and3A_475, %sub3A_477, %div3A_456 : i32
    %mul3A_479 = arith.constant 16 : i32
    %mul3A_480 = arith.muli %select_n3A_478, %mul3A_479 : i32
    %get3A_481 = arith.constant 1 : i32
    %get3A_482 = arith.constant 3 : i32
    %get3A_483 = arith.index_cast %get3A_481 : i32 to index
    %get3A_484 = arith.index_cast %get3A_482 : i32 to index
    %get3A_485 = arith.index_cast %mul3A_480 : i32 to index
    %get3A_486 = tpu.vector_load %arg9[%get3A_483, %get3A_484, %get3A_485] {strides = array<i32>} : memref<2x4x8192xf32, #tpu.memory_space<vmem>>, vector<1x1x16xf32>,
    %get3A_487 = vector.shape_cast %get3A_486 : vector<1x1x16xf32> to vector<16xf32>
    %jit3A_488 = arith.constant 16 : i32
    %eq3A_489 = arith.constant 0 : i32
    %eq3A_490 = arith.cmpi eq, %jit3A_488, %eq3A_489 : i32
    %jit3A_491 = arith.constant 1 : i32
    %select_n3A_492 = arith.select %eq3A_490, %jit3A_491, %jit3A_488 : i32
    %rem3A_493 = arith.remsi %squeeze3A_454, %select_n3A_492 : i32
    %ne3A_494 = arith.constant 0 : i32
    %ne3A_495 = arith.cmpi ne, %rem3A_493, %ne3A_494 : i32
    %lt3A_496 = arith.constant 0 : i32
    %lt3A_497 = arith.cmpi slt, %rem3A_493, %lt3A_496 : i32
    %lt3A_498 = arith.constant 0 : i32
    %lt3A_499 = arith.cmpi slt, %select_n3A_492, %lt3A_498 : i32
    %ne3A_500 = arith.xori %lt3A_497, %lt3A_499 : i1
    %and3A_501 = arith.andi %ne3A_500, %ne3A_495 : i1
    %add3A_502 = arith.addi %rem3A_493, %select_n3A_492 : i32
    %select_n3A_503 = arith.select %and3A_501, %add3A_502, %rem3A_493 : i32
    %eq3A_504 = vector.broadcast %select_n3A_503 : i32 to vector<16xi32>
    %eq3A_505 = arith.cmpi eq, %iota3A, %eq3A_504 : vector<16xi32>
    %jit3A_506 = arith.constant 0.000000e+00 : f32
    %broadcast_in_dim3A_507 = vector.broadcast %jit3A_506 : f32 to vector<16xf32>
    %select_n3A_508 = arith.select %eq3A_505, %get3A_487, %broadcast_in_dim3A_507 : vector<16xi1>, vector<16xf32>
    %add3A_509 = arith.addf %add3A_452, %select_n3A_508 : vector<16xf32>
    %add3A_510 = arith.constant 252 : i32
    %add3A_511 = arith.addi %mul3A_2, %add3A_510 : i32
    %run_scoped3A_512 = arith.constant 1 : i32
    "tpu.region"() ({
      %run_scoped3A_516 = tpu.sem_alloc : memref<!tpu.dma_semaphore, #tpu.memory_space<semaphore_mem>>
      %dma_start3A_517 = arith.constant 0 : i32
      %dma_start3A_518 = arith.constant 0 : i32
      %dma_start3A_519 = tpu.memref_slice %arg9[%run_scoped3A_512, %dma_start3A_517, %dma_start3A_518] : memref<2x4x8192xf32, #tpu.memory_space<vmem>> -> memref<1x4x8192xf32, #tpu.memory_space<vmem>>
      %dma_start3A_520 = tpu.memref_squeeze %dma_start3A_519 : memref<1x4x8192xf32, #tpu.memory_space<vmem>> -> memref<4x8192xf32, #tpu.memory_space<vmem>>
      %dma_start3A_521 = arith.constant 0 : i32
      %dma_start3A_522 = tpu.memref_slice %arg5[%add3A_511, %dma_start3A_521] : memref<8192x8192xf32, #tpu.memory_space<hbm>> -> memref<4x8192xf32, #tpu.memory_space<hbm>>
      %dma_start3A_523 = arith.constant 0 : i32
      %dma_start3A_524 = tpu.memref_slice %arg5[%add3A_511, %dma_start3A_523] : memref<8192x8192xf32, #tpu.memory_space<hbm>> -> memref<4x8192xf32, #tpu.memory_space<hbm>>
      %dma_start3A_525 = arith.constant 0 : i32
      %dma_start3A_526 = arith.constant 0 : i32
      %dma_start3A_527 = tpu.memref_slice %arg9[%run_scoped3A_512, %dma_start3A_525, %dma_start3A_526] : memref<2x4x8192xf32, #tpu.memory_space<vmem>> -> memref<1x4x8192xf32, #tpu.memory_space<vmem>>
      %dma_start3A_528 = tpu.memref_squeeze %dma_start3A_527 : memref<1x4x8192xf32, #tpu.memory_space<vmem>> -> memref<4x8192xf32, #tpu.memory_space<vmem>>
      tpu.enqueue_dma source(%dma_start3A_528 : memref<4x8192xf32, #tpu.memory_space<vmem>>) target(%dma_start3A_524 : memref<4x8192xf32, #tpu.memory_space<hbm>>) target_semaphore(%run_scoped3A_516 : memref<!tpu.dma_semaphore, #tpu.memory_space<semaphore_mem>>)
      %dma_wait3A_529 = arith.constant 0 : i32
      %dma_wait3A_530 = arith.constant 0 : i32
      %dma_wait3A_531 = tpu.memref_slice %arg9[%run_scoped3A_512, %dma_wait3A_529, %dma_wait3A_530] : memref<2x4x8192xf32, #tpu.memory_space<vmem>> -> memref<1x4x8192xf32, #tpu.memory_space<vmem>>
      %dma_wait3A_532 = tpu.memref_squeeze %dma_wait3A_531 : memref<1x4x8192xf32, #tpu.memory_space<vmem>> -> memref<4x8192xf32, #tpu.memory_space<vmem>>
      %dma_wait3A_533 = arith.constant 0 : i32
      %dma_wait3A_534 = tpu.memref_slice %arg5[%add3A_511, %dma_wait3A_533] : memref<8192x8192xf32, #tpu.memory_space<hbm>> -> memref<4x8192xf32, #tpu.memory_space<hbm>>
      %dma_wait3A_535 = arith.constant 0 : i32
      %dma_wait3A_536 = tpu.memref_slice %arg5[%add3A_511, %dma_wait3A_535] : memref<8192x8192xf32, #tpu.memory_space<hbm>> -> memref<4x8192xf32, #tpu.memory_space<hbm>>
      %dma_wait3A_537 = arith.constant 0 : i32
      %dma_wait3A_538 = arith.constant 0 : i32
      %dma_wait3A_539 = tpu.memref_slice %arg9[%run_scoped3A_512, %dma_wait3A_537, %dma_wait3A_538] : memref<2x4x8192xf32, #tpu.memory_space<vmem>> -> memref<1x4x8192xf32, #tpu.memory_space<vmem>>
      %dma_wait3A_540 = tpu.memref_squeeze %dma_wait3A_539 : memref<1x4x8192xf32, #tpu.memory_space<vmem>> -> memref<4x8192xf32, #tpu.memory_space<vmem>>
      tpu.wait_dma2 semaphore(%run_scoped3A_516 : memref<!tpu.dma_semaphore, #tpu.memory_space<semaphore_mem>>) src(%dma_wait3A_540 : memref<4x8192xf32, #tpu.memory_space<vmem>>) dst(%dma_wait3A_536 : memref<4x8192xf32, #tpu.memory_space<hbm>>)
      tpu.yield
    }) : () -> ()
    %swap3A = arith.constant 0 : index
    %swap3A_513 = tpu.vector_load %arg10[%swap3A] {strides = array<i32>} : memref<16xf32, #tpu.memory_space<vmem>>, vector<16xf32>,
    %swap3A_514 = vector.shape_cast %swap3A_513 : vector<16xf32> to vector<16xf32>
    %swap3A_515 = vector.shape_cast %add3A_509 : vector<16xf32> to vector<16xf32>
    tpu.vector_store %arg10[%swap3A], %swap3A_515 {strides = array<i32>} : memref<16xf32, #tpu.memory_space<vmem>>, vector<16xf32>,
    "tpu.region"() ({
      %run_scoped3A_516 = tpu.sem_alloc : memref<!tpu.dma_semaphore, #tpu.memory_space<semaphore_mem>>
      %dma_start3A_517 = arith.constant 0 : i32
      %dma_start3A_518 = tpu.memref_slice %arg6[%add3A, %dma_start3A_517] : memref<32x16xf32, #tpu.memory_space<hbm>> -> memref<1x16xf32, #tpu.memory_space<hbm>>
      %dma_start3A_519 = tpu.memref_squeeze %dma_start3A_518 : memref<1x16xf32, #tpu.memory_space<hbm>> -> memref<16xf32, #tpu.memory_space<hbm>>
      %dma_start3A_520 = arith.constant 0 : i32
      %dma_start3A_521 = tpu.memref_slice %arg6[%add3A, %dma_start3A_520] : memref<32x16xf32, #tpu.memory_space<hbm>> -> memref<1x16xf32, #tpu.memory_space<hbm>>
      %dma_start3A_522 = tpu.memref_squeeze %dma_start3A_521 : memref<1x16xf32, #tpu.memory_space<hbm>> -> memref<16xf32, #tpu.memory_space<hbm>>
      tpu.enqueue_dma source(%arg10 : memref<16xf32, #tpu.memory_space<vmem>>) target(%dma_start3A_522 : memref<16xf32, #tpu.memory_space<hbm>>) target_semaphore(%run_scoped3A_516 : memref<!tpu.dma_semaphore, #tpu.memory_space<semaphore_mem>>)
      %dma_wait3A_523 = arith.constant 0 : i32
      %dma_wait3A_524 = tpu.memref_slice %arg6[%add3A, %dma_wait3A_523] : memref<32x16xf32, #tpu.memory_space<hbm>> -> memref<1x16xf32, #tpu.memory_space<hbm>>
      %dma_wait3A_525 = tpu.memref_squeeze %dma_wait3A_524 : memref<1x16xf32, #tpu.memory_space<hbm>> -> memref<16xf32, #tpu.memory_space<hbm>>
      %dma_wait3A_526 = arith.constant 0 : i32
      %dma_wait3A_527 = tpu.memref_slice %arg6[%add3A, %dma_wait3A_526] : memref<32x16xf32, #tpu.memory_space<hbm>> -> memref<1x16xf32, #tpu.memory_space<hbm>>
      %dma_wait3A_528 = tpu.memref_squeeze %dma_wait3A_527 : memref<1x16xf32, #tpu.memory_space<hbm>> -> memref<16xf32, #tpu.memory_space<hbm>>
      tpu.wait_dma2 semaphore(%run_scoped3A_516 : memref<!tpu.dma_semaphore, #tpu.memory_space<semaphore_mem>>) src(%arg10 : memref<16xf32, #tpu.memory_space<vmem>>) dst(%dma_wait3A_528 : memref<16xf32, #tpu.memory_space<hbm>>)
      tpu.yield
    }) : () -> ()
    return
  }
}

#map = affine_map<(d0, d1) -> (0, 0, 0)>
#map1 = affine_map<(d0, d1) -> (0)>
#map2 = affine_map<(d0, d1) -> (0, 0)>
module attributes {stable_mosaic.version = 14 : i64} {
  func.func @_sc_loss(%arg0: i32, %arg1: i32, %arg2: memref<32x2x128xi32, #tpu.memory_space<hbm>>, %arg3: memref<8192xf32, #tpu.memory_space<hbm>>, %arg4: memref<32x16xf32, #tpu.memory_space<hbm>>, %arg5: memref<32x16xf32, #tpu.memory_space<hbm>>, %arg6: memref<2x128xi32, #tpu.memory_space<vmem>>, %arg7: memref<256xf32, #tpu.memory_space<vmem>>, %arg8: memref<16xf32, #tpu.memory_space<vmem>>, %arg9: memref<16xf32, #tpu.memory_space<vmem>>, %arg10: memref<!tpu.dma_semaphore, #tpu.memory_space<semaphore_mem>>) attributes {dimension_semantics = [#tpu.dimension_semantics<core_parallel>, #tpu.dimension_semantics<subcore_parallel>], iteration_bounds = array<i64: 2, 16>, scalar_prefetch = 0 : i64, scratch_operands = 5 : i64, tpu.core_type = #tpu.core_type<sc_vector_subcore>, window_params = [{transform_indices = #map}, {transform_indices = #map1}, {transform_indices = #map2}, {transform_indices = #map2}]} {
    %mul3A = arith.constant 2 : i32
    %mul3A_0 = arith.muli %arg1, %mul3A : i32
    %add3A = arith.addi %mul3A_0, %arg0 : i32
    "tpu.region"() ({
      %run_scoped3A = tpu.sem_alloc : memref<!tpu.dma_semaphore, #tpu.memory_space<semaphore_mem>>
      %dma_start3A_45 = arith.constant 0 : i32
      %dma_start3A_46 = arith.constant 0 : i32
      %dma_start3A_47 = tpu.memref_slice %arg2[%add3A, %dma_start3A_45, %dma_start3A_46] : memref<32x2x128xi32, #tpu.memory_space<hbm>> -> memref<1x2x128xi32, #tpu.memory_space<hbm>>
      %dma_start3A_48 = tpu.memref_squeeze %dma_start3A_47 : memref<1x2x128xi32, #tpu.memory_space<hbm>> -> memref<2x128xi32, #tpu.memory_space<hbm>>
      %dma_start3A_49 = arith.constant 0 : i32
      %dma_start3A_50 = arith.constant 0 : i32
      %dma_start3A_51 = tpu.memref_slice %arg2[%add3A, %dma_start3A_49, %dma_start3A_50] : memref<32x2x128xi32, #tpu.memory_space<hbm>> -> memref<1x2x128xi32, #tpu.memory_space<hbm>>
      %dma_start3A_52 = tpu.memref_squeeze %dma_start3A_51 : memref<1x2x128xi32, #tpu.memory_space<hbm>> -> memref<2x128xi32, #tpu.memory_space<hbm>>
      tpu.enqueue_dma source(%dma_start3A_52 : memref<2x128xi32, #tpu.memory_space<hbm>>) target(%arg6 : memref<2x128xi32, #tpu.memory_space<vmem>>) target_semaphore(%run_scoped3A : memref<!tpu.dma_semaphore, #tpu.memory_space<semaphore_mem>>)
      %dma_wait3A_53 = arith.constant 0 : i32
      %dma_wait3A_54 = arith.constant 0 : i32
      %dma_wait3A_55 = tpu.memref_slice %arg2[%add3A, %dma_wait3A_53, %dma_wait3A_54] : memref<32x2x128xi32, #tpu.memory_space<hbm>> -> memref<1x2x128xi32, #tpu.memory_space<hbm>>
      %dma_wait3A_56 = tpu.memref_squeeze %dma_wait3A_55 : memref<1x2x128xi32, #tpu.memory_space<hbm>> -> memref<2x128xi32, #tpu.memory_space<hbm>>
      %dma_wait3A_57 = arith.constant 0 : i32
      %dma_wait3A_58 = arith.constant 0 : i32
      %dma_wait3A_59 = tpu.memref_slice %arg2[%add3A, %dma_wait3A_57, %dma_wait3A_58] : memref<32x2x128xi32, #tpu.memory_space<hbm>> -> memref<1x2x128xi32, #tpu.memory_space<hbm>>
      %dma_wait3A_60 = tpu.memref_squeeze %dma_wait3A_59 : memref<1x2x128xi32, #tpu.memory_space<hbm>> -> memref<2x128xi32, #tpu.memory_space<hbm>>
      tpu.wait_dma2 semaphore(%run_scoped3A : memref<!tpu.dma_semaphore, #tpu.memory_space<semaphore_mem>>) src(%dma_wait3A_60 : memref<2x128xi32, #tpu.memory_space<hbm>>) dst(%arg6 : memref<2x128xi32, #tpu.memory_space<vmem>>)
      tpu.yield
    }) : () -> ()
    "tpu.region"() ({
      %run_scoped3A = tpu.sem_alloc : memref<!tpu.dma_semaphore, #tpu.memory_space<semaphore_mem>>
      %dma_start3A_45 = arith.constant 0 : i32
      %dma_start3A_46 = tpu.memref_slice %arg4[%add3A, %dma_start3A_45] : memref<32x16xf32, #tpu.memory_space<hbm>> -> memref<1x16xf32, #tpu.memory_space<hbm>>
      %dma_start3A_47 = tpu.memref_squeeze %dma_start3A_46 : memref<1x16xf32, #tpu.memory_space<hbm>> -> memref<16xf32, #tpu.memory_space<hbm>>
      %dma_start3A_48 = arith.constant 0 : i32
      %dma_start3A_49 = tpu.memref_slice %arg4[%add3A, %dma_start3A_48] : memref<32x16xf32, #tpu.memory_space<hbm>> -> memref<1x16xf32, #tpu.memory_space<hbm>>
      %dma_start3A_50 = tpu.memref_squeeze %dma_start3A_49 : memref<1x16xf32, #tpu.memory_space<hbm>> -> memref<16xf32, #tpu.memory_space<hbm>>
      tpu.enqueue_dma source(%dma_start3A_50 : memref<16xf32, #tpu.memory_space<hbm>>) target(%arg8 : memref<16xf32, #tpu.memory_space<vmem>>) target_semaphore(%run_scoped3A : memref<!tpu.dma_semaphore, #tpu.memory_space<semaphore_mem>>)
      %dma_wait3A_51 = arith.constant 0 : i32
      %dma_wait3A_52 = tpu.memref_slice %arg4[%add3A, %dma_wait3A_51] : memref<32x16xf32, #tpu.memory_space<hbm>> -> memref<1x16xf32, #tpu.memory_space<hbm>>
      %dma_wait3A_53 = tpu.memref_squeeze %dma_wait3A_52 : memref<1x16xf32, #tpu.memory_space<hbm>> -> memref<16xf32, #tpu.memory_space<hbm>>
      %dma_wait3A_54 = arith.constant 0 : i32
      %dma_wait3A_55 = tpu.memref_slice %arg4[%add3A, %dma_wait3A_54] : memref<32x16xf32, #tpu.memory_space<hbm>> -> memref<1x16xf32, #tpu.memory_space<hbm>>
      %dma_wait3A_56 = tpu.memref_squeeze %dma_wait3A_55 : memref<1x16xf32, #tpu.memory_space<hbm>> -> memref<16xf32, #tpu.memory_space<hbm>>
      tpu.wait_dma2 semaphore(%run_scoped3A : memref<!tpu.dma_semaphore, #tpu.memory_space<semaphore_mem>>) src(%dma_wait3A_56 : memref<16xf32, #tpu.memory_space<hbm>>) dst(%arg8 : memref<16xf32, #tpu.memory_space<vmem>>)
      tpu.yield
    }) : () -> ()
    %dma_start3A = arith.constant 0 : i32
    %dma_start3A_1 = arith.constant 0 : i32
    %dma_start3A_2 = tpu.memref_slice %arg7[%dma_start3A_1] : memref<256xf32, #tpu.memory_space<vmem>> -> memref<128xf32, #tpu.memory_space<vmem>>
    %dma_start3A_3 = arith.constant 0 : i32
    %dma_start3A_4 = tpu.memref_slice %arg6[%dma_start3A, %dma_start3A_3] : memref<2x128xi32, #tpu.memory_space<vmem>> -> memref<1x128xi32, #tpu.memory_space<vmem>>
    %dma_start3A_5 = tpu.memref_squeeze %dma_start3A_4 : memref<1x128xi32, #tpu.memory_space<vmem>> -> memref<128xi32, #tpu.memory_space<vmem>>
    %dma_start3A_6 = arith.constant 0 : i32
    %dma_start3A_7 = tpu.memref_slice %arg3[%dma_start3A_6] : memref<8192xf32, #tpu.memory_space<hbm>> -> memref<8192xf32, #tpu.memory_space<hbm>>
    tpu.enqueue_indirect_dma source(%dma_start3A_7 : memref<8192xf32, #tpu.memory_space<hbm>>) target(%dma_start3A_2 : memref<128xf32, #tpu.memory_space<vmem>>) offsets(%dma_start3A_5 : memref<128xi32, #tpu.memory_space<vmem>>) semaphore(%arg10 : memref<!tpu.dma_semaphore, #tpu.memory_space<semaphore_mem>>)
    %dma_start3A_8 = arith.constant 1 : i32
    %dma_start3A_9 = arith.constant 128 : i32
    %dma_start3A_10 = tpu.memref_slice %arg7[%dma_start3A_9] : memref<256xf32, #tpu.memory_space<vmem>> -> memref<128xf32, #tpu.memory_space<vmem>>
    %dma_start3A_11 = arith.constant 0 : i32
    %dma_start3A_12 = tpu.memref_slice %arg6[%dma_start3A_8, %dma_start3A_11] : memref<2x128xi32, #tpu.memory_space<vmem>> -> memref<1x128xi32, #tpu.memory_space<vmem>>
    %dma_start3A_13 = tpu.memref_squeeze %dma_start3A_12 : memref<1x128xi32, #tpu.memory_space<vmem>> -> memref<128xi32, #tpu.memory_space<vmem>>
    %dma_start3A_14 = arith.constant 0 : i32
    %dma_start3A_15 = tpu.memref_slice %arg3[%dma_start3A_14] : memref<8192xf32, #tpu.memory_space<hbm>> -> memref<8192xf32, #tpu.memory_space<hbm>>
    tpu.enqueue_indirect_dma source(%dma_start3A_15 : memref<8192xf32, #tpu.memory_space<hbm>>) target(%dma_start3A_10 : memref<128xf32, #tpu.memory_space<vmem>>) offsets(%dma_start3A_13 : memref<128xi32, #tpu.memory_space<vmem>>) semaphore(%arg10 : memref<!tpu.dma_semaphore, #tpu.memory_space<semaphore_mem>>)
    %dma_wait3A = arith.constant 0 : i32
    %dma_wait3A_16 = arith.constant 0 : i32
    %dma_wait3A_17 = tpu.memref_slice %arg7[%dma_wait3A_16] : memref<256xf32, #tpu.memory_space<vmem>> -> memref<128xf32, #tpu.memory_space<vmem>>
    %dma_wait3A_18 = arith.constant 0 : i32
    %dma_wait3A_19 = tpu.memref_slice %arg6[%dma_wait3A, %dma_wait3A_18] : memref<2x128xi32, #tpu.memory_space<vmem>> -> memref<1x128xi32, #tpu.memory_space<vmem>>
    %dma_wait3A_20 = tpu.memref_squeeze %dma_wait3A_19 : memref<1x128xi32, #tpu.memory_space<vmem>> -> memref<128xi32, #tpu.memory_space<vmem>>
    %dma_wait3A_21 = arith.constant 0 : i32
    %dma_wait3A_22 = tpu.memref_slice %arg3[%dma_wait3A_21] : memref<8192xf32, #tpu.memory_space<hbm>> -> memref<8192xf32, #tpu.memory_space<hbm>>
    tpu.wait_indirect_dma semaphore(%arg10 : memref<!tpu.dma_semaphore, #tpu.memory_space<semaphore_mem>>) src(%dma_wait3A_22 : memref<8192xf32, #tpu.memory_space<hbm>>) dst(%dma_wait3A_17 : memref<128xf32, #tpu.memory_space<vmem>>)
    %dma_wait3A_23 = arith.constant 1 : i32
    %dma_wait3A_24 = arith.constant 128 : i32
    %dma_wait3A_25 = tpu.memref_slice %arg7[%dma_wait3A_24] : memref<256xf32, #tpu.memory_space<vmem>> -> memref<128xf32, #tpu.memory_space<vmem>>
    %dma_wait3A_26 = arith.constant 0 : i32
    %dma_wait3A_27 = tpu.memref_slice %arg6[%dma_wait3A_23, %dma_wait3A_26] : memref<2x128xi32, #tpu.memory_space<vmem>> -> memref<1x128xi32, #tpu.memory_space<vmem>>
    %dma_wait3A_28 = tpu.memref_squeeze %dma_wait3A_27 : memref<1x128xi32, #tpu.memory_space<vmem>> -> memref<128xi32, #tpu.memory_space<vmem>>
    %dma_wait3A_29 = arith.constant 0 : i32
    %dma_wait3A_30 = tpu.memref_slice %arg3[%dma_wait3A_29] : memref<8192xf32, #tpu.memory_space<hbm>> -> memref<8192xf32, #tpu.memory_space<hbm>>
    tpu.wait_indirect_dma semaphore(%arg10 : memref<!tpu.dma_semaphore, #tpu.memory_space<semaphore_mem>>) src(%dma_wait3A_30 : memref<8192xf32, #tpu.memory_space<hbm>>) dst(%dma_wait3A_25 : memref<128xf32, #tpu.memory_space<vmem>>)
    %broadcast_in_dim3A = arith.constant 0.000000e+00 : f32
    %broadcast_in_dim3A_31 = vector.broadcast %broadcast_in_dim3A : f32 to vector<16xf32>
    %scan3A = arith.constant 0 : i32
    %scan3A_32 = arith.constant 16 : i32
    %scan3A_33 = arith.addi %scan3A, %scan3A_32 : i32
    %scan3A_34 = arith.constant 1 : i32
    %scan3A_35 = scf.for %scan3A_45 = %scan3A to %scan3A_33 step %scan3A_34 iter_args(%scan3A_46 = %broadcast_in_dim3A_31) -> (vector<16xf32>)  : i32 {
      %mul3A_47 = arith.constant 16 : i32
      %mul3A_48 = arith.muli %scan3A_45, %mul3A_47 : i32
      %get3A_49 = arith.index_cast %mul3A_48 : i32 to index
      %get3A_50 = tpu.vector_load %arg7[%get3A_49] {strides = array<i32>} : memref<256xf32, #tpu.memory_space<vmem>>, vector<16xf32>,
      %get3A_51 = vector.shape_cast %get3A_50 : vector<16xf32> to vector<16xf32>
      %add3A_52 = arith.addf %scan3A_46, %get3A_51 : vector<16xf32>
      scf.yield %add3A_52 : vector<16xf32>
    }
    %scan3A_36 = arith.constant 16 : i32
    %get3A = arith.constant 0 : index
    %get3A_37 = tpu.vector_load %arg8[%get3A] {strides = array<i32>} : memref<16xf32, #tpu.memory_space<vmem>>, vector<16xf32>,
    %get3A_38 = vector.shape_cast %get3A_37 : vector<16xf32> to vector<16xf32>
    %sub3A = arith.subf %scan3A_35, %get3A_38 : vector<16xf32>
    %mul3A_39 = arith.constant 1.22070313E-4 : f32
    %mul3A_40 = vector.broadcast %mul3A_39 : f32 to vector<16xf32>
    %mul3A_41 = arith.mulf %sub3A, %mul3A_40 : vector<16xf32>
    %swap3A = arith.constant 0 : index
    %swap3A_42 = tpu.vector_load %arg9[%swap3A] {strides = array<i32>} : memref<16xf32, #tpu.memory_space<vmem>>, vector<16xf32>,
    %swap3A_43 = vector.shape_cast %swap3A_42 : vector<16xf32> to vector<16xf32>
    %swap3A_44 = vector.shape_cast %mul3A_41 : vector<16xf32> to vector<16xf32>
    tpu.vector_store %arg9[%swap3A], %swap3A_44 {strides = array<i32>} : memref<16xf32, #tpu.memory_space<vmem>>, vector<16xf32>,
    "tpu.region"() ({
      %run_scoped3A = tpu.sem_alloc : memref<!tpu.dma_semaphore, #tpu.memory_space<semaphore_mem>>
      %dma_start3A_45 = arith.constant 0 : i32
      %dma_start3A_46 = tpu.memref_slice %arg5[%add3A, %dma_start3A_45] : memref<32x16xf32, #tpu.memory_space<hbm>> -> memref<1x16xf32, #tpu.memory_space<hbm>>
      %dma_start3A_47 = tpu.memref_squeeze %dma_start3A_46 : memref<1x16xf32, #tpu.memory_space<hbm>> -> memref<16xf32, #tpu.memory_space<hbm>>
      %dma_start3A_48 = arith.constant 0 : i32
      %dma_start3A_49 = tpu.memref_slice %arg5[%add3A, %dma_start3A_48] : memref<32x16xf32, #tpu.memory_space<hbm>> -> memref<1x16xf32, #tpu.memory_space<hbm>>
      %dma_start3A_50 = tpu.memref_squeeze %dma_start3A_49 : memref<1x16xf32, #tpu.memory_space<hbm>> -> memref<16xf32, #tpu.memory_space<hbm>>
      tpu.enqueue_dma source(%arg9 : memref<16xf32, #tpu.memory_space<vmem>>) target(%dma_start3A_50 : memref<16xf32, #tpu.memory_space<hbm>>) target_semaphore(%run_scoped3A : memref<!tpu.dma_semaphore, #tpu.memory_space<semaphore_mem>>)
      %dma_wait3A_51 = arith.constant 0 : i32
      %dma_wait3A_52 = tpu.memref_slice %arg5[%add3A, %dma_wait3A_51] : memref<32x16xf32, #tpu.memory_space<hbm>> -> memref<1x16xf32, #tpu.memory_space<hbm>>
      %dma_wait3A_53 = tpu.memref_squeeze %dma_wait3A_52 : memref<1x16xf32, #tpu.memory_space<hbm>> -> memref<16xf32, #tpu.memory_space<hbm>>
      %dma_wait3A_54 = arith.constant 0 : i32
      %dma_wait3A_55 = tpu.memref_slice %arg5[%add3A, %dma_wait3A_54] : memref<32x16xf32, #tpu.memory_space<hbm>> -> memref<1x16xf32, #tpu.memory_space<hbm>>
      %dma_wait3A_56 = tpu.memref_squeeze %dma_wait3A_55 : memref<1x16xf32, #tpu.memory_space<hbm>> -> memref<16xf32, #tpu.memory_space<hbm>>
      tpu.wait_dma2 semaphore(%run_scoped3A : memref<!tpu.dma_semaphore, #tpu.memory_space<semaphore_mem>>) src(%arg9 : memref<16xf32, #tpu.memory_space<vmem>>) dst(%dma_wait3A_56 : memref<16xf32, #tpu.memory_space<hbm>>)
      tpu.yield
    }) : () -> ()
    return
  }
}

module attributes {stable_mosaic.version = 14 : i64} {
  func.func @_lse_body(%arg0: i32, %arg1: memref<256x8192xf32, #tpu.memory_space<vmem>>, %arg2: memref<256x1xf32, #tpu.memory_space<vmem>>) attributes {dimension_semantics = [#tpu.dimension_semantics<arbitrary>], iteration_bounds = array<i64: 32>, scalar_prefetch = 0 : i64, scratch_operands = 0 : i64, tpu.core_type = #tpu.core_type<tc>, window_params = [{transform_indices = @transform_0, window_bounds = array<i64: 256, 8192>}, {transform_indices = @transform_1, window_bounds = array<i64: 256, 1>}]} {
    %get3A = arith.constant 0 : index
    %get3A_0 = arith.constant 0 : index
    %get3A_1 = vector.load %arg1[%get3A, %get3A_0] : memref<256x8192xf32, #tpu.memory_space<vmem>>, vector<256x8192xf32>
    %reduce_max3A = arith.constant dense<0xFF800000> : vector<256xf32>
    %reduce_max3A_2 = vector.multi_reduction <maximumf>, %get3A_1, %reduce_max3A [1] : vector<256x8192xf32> to vector<256xf32>
    %broadcast_in_dim3A = vector.shape_cast %reduce_max3A_2 : vector<256xf32> to vector<256x1xf32>
    %sub3A = vector.broadcast %broadcast_in_dim3A : vector<256x1xf32> to vector<256x8192xf32>
    %sub3A_3 = arith.subf %get3A_1, %sub3A : vector<256x8192xf32>
    %exp3A = math.exp %sub3A_3 : vector<256x8192xf32>
    %reduce_sum3A = arith.constant dense<0.000000e+00> : vector<256xf32>
    %reduce_sum3A_4 = vector.multi_reduction <add>, %exp3A, %reduce_sum3A [1] : vector<256x8192xf32> to vector<256xf32>
    %broadcast_in_dim3A_5 = vector.shape_cast %reduce_sum3A_4 : vector<256xf32> to vector<256x1xf32>
    %log3A = math.log %broadcast_in_dim3A_5 : vector<256x1xf32>
    %add3A = arith.addf %broadcast_in_dim3A, %log3A : vector<256x1xf32>
    %swap3A = arith.constant 0 : index
    %swap3A_6 = arith.constant 0 : index
    %swap3A_7 = vector.load %arg2[%swap3A, %swap3A_6] : memref<256x1xf32, #tpu.memory_space<vmem>>, vector<256x1xf32>
    tpu.vector_store %arg2[%swap3A, %swap3A_6], %add3A {strides = array<i32>} : memref<256x1xf32, #tpu.memory_space<vmem>>, vector<256x1xf32>,
    return
  }
  func.func @transform_0(%arg0: i32) -> (i32, i32) {
    %c0_i32 = arith.constant 0 : i32
    %c0_i32_0 = arith.constant 0 : i32
    return %arg0, %c0_i32 : i32, i32
  }
  func.func @transform_1(%arg0: i32) -> (i32, i32) {
    %c0_i32 = arith.constant 0 : i32
    %c0_i32_0 = arith.constant 0 : i32
    return %arg0, %c0_i32 : i32, i32
  }
}

</mosaic_0001>

<sc_bundles>
// kernel: kernel.5.cloned.1.call-start
scs
__scs_entry_jumppad:
0x0: {  	(pc) =	sbr.rel $0x88, $3  }
0x1: {  	(tag) =	ssettag $0x0;
	lr =	simm.s32 $0x1  }
0x2: {  	[smem:$0x3F9E] =	sst lr;
	_ =	strace $0xD0000000  }
0x3: {  	_ = 	snop  }
0x4: {  	_ = 	snop  }
0x5: {  	_ = 	snop  }
0x6: {  	_ = 	snop  }
0x7: {  	_ = 	snop  }
__scs_overlays_trampoline_lowered:
0x8: {  	[smem:$0x3FAD] =	sst s0  }
0x9: {  	[smem:$0x3FAE] =	sst s1  }
0xa: {  	[smem:$0x3FAF] =	sst s2  }
0xb: {  	[smem:$0x3FB0] =	sst s3  }
0xc: {  	[smem:$0x3FB1] =	sst s4  }
0xd: {  	[smem:$0x3FB2] =	sst s5  }
0xe: {  	[smem:$0x3FB3] =	sst s6  }
0xf: {  	[smem:$0x3FB4] =	sst s7  }
0x10: {  	[smem:$0x3FB5] =	sst s8  }
0x11: {  	[smem:$0x3FB6] =	sst s9;
	s0 =	simm.s32 @!p0 $0x0  }
0x12: {  	s1 =	sld [smem:$0x3F9C];
	s0 =	simm.s32 @p0 $0x1  }
0x13: {  	[smem:$0x3FB7] =	sst s0;
	s0 =	simm.s32 @!p1 $0x0  }
0x14: {  	s2 =	sld [smem:$0x3F9B];
	s0 =	simm.s32 @p1 $0x1  }
0x15: {  	[smem:$0x3FB8] =	sst s0;
	s0 =	simm.s32 @!p2 $0x0  }
0x16: {  	s3 =	sld [smem:$0x3FDB];
	s0 =	simm.s32 @p2 $0x1  }
0x17: {  	s4 =	simm.s32 $0x1BF5;
	[smem:$0x3FBA] =	sst s0  }
0x18: {  	s0 =	sld [smem:$0x3F9D];
	_ =	swait.ge [sflag:s4], $0x0  }
0x19: {  	s7 =	sld [smem:$0x3F9E]  }
0x1a: {  	s8 =	sadd.s32 $0xFFFFE003, lr  }
0x1b: {  	s9 =	sadd.s32 $0xFFFFFEF7, lr;
	s5 =	simm.s32 $0xFFFFFFFF;
	p2 =	slt.u32 s8, $0xFFFFF086  }
0x1c: {  	p1 =	slt.u32 s9, $0xF7A;
	s5 =	simm.s32 @!p2 $0x0  }
0x1d: {  	s5 =	simm.s32 @p1 $0x1;
	p0 =	seq.s32 s7, s2  }
0x1e: {  	s7 =	smul.u32 @!p0 $0xF7A, s2;
	p2 =	seq.s32 @!p0 s5, $0x0  }
0x1f: {  	s9 =	smul.u32 $0xF7A, s1;
	s8 =	simm.s32 @!p0 $0x1BF5;
	p2 =	por !p2, p0  }
0x20: {  	[sflag:s8] =	ssyncset.s32 @!p0 $0xFFFFF086;
	s6 =	sadd.s32 @!p0 s3, s7;
	s7 =	simm.s32 @!p0 $0x108  }
0x21: {  	s3 =	sadd.s32 s3, s9;
	s6 =	sadd.s32 @!p0 $0x88, s6;
	s7 =	simm.s32 @p2 $0x1082  }
0x22: {  	[simem:s7], [sflag:s8] =	dma.local @!p0 [hbm:s6], $0xF7A  }
0x23: {  	s9 =	sor.u32 $0xD0000000, s2;
	s6 =	simm.s32 $0x108;
	_ =	swait.ge @!p0 [sflag:s8], $0x0  }
0x24: {  	s3 =	sadd.s32 $0x88, s3;
	s6 =	simm.s32 @!p1 $0x1082;
	[sflag:s4] =	ssyncset.s32 $0xFFFFF086  }
0x25: {  	[simem:s6], [sflag:s4] =	dma.local [hbm:s3], $0xF7A  }
0x26: {  	[smem:$0x3F9E] =	sst s1;
	(tag) =	ssettag s2;
	_ =	strace s9  }
0x27: {  	s1 =	sld [smem:$0x3FAE]  }
0x28: {  	s2 =	sld [smem:$0x3FAF]  }
0x29: {  	s4 =	sld [smem:$0x3FB1]  }
0x2a: {  	p0 =	seq.s32 s5, $0x0;
	s5 =	sld [smem:$0x3FB2]  }
0x2b: {  	s6 =	sld [smem:$0x3FB3]  }
0x2c: {  	s7 =	sld [smem:$0x3FB4]  }
0x2d: {  	s3 =	simm.s32 $0x108;
	s8 =	sld [smem:$0x3FB5]  }
0x2e: {  	s3 =	simm.s32 @!p0 $0x1082;
	s9 =	sld [smem:$0x3FB6]  }
0x2f: {  	lr =	sadd.s32 s0, s3;
	s0 =	sld [smem:$0x3FAD]  }
0x30: {  	s3 =	sld [smem:$0x3FB0]  }
0x31: {  	[smem:$0x3FB9] =	sst s10  }
0x32: {  	s10 =	sld [smem:$0x3FB7];
	_ =	sdelay $0x3  }
0x33: {  	p0 =	seq.s32 s10, $0x1;
	s10 =	sld [smem:$0x3FB9];
	_ =	sdelay $0x3  }
0x34: {  	[smem:$0x3FB9] =	sst s10  }
0x35: {  	s10 =	sld [smem:$0x3FB8];
	_ =	sdelay $0x3  }
0x36: {  	p1 =	seq.s32 s10, $0x1;
	s10 =	sld [smem:$0x3FB9];
	_ =	sdelay $0x3  }
0x37: {  	[smem:$0x3FB9] =	sst s10  }
0x38: {  	s10 =	sld [smem:$0x3FBA]  }
0x39: {  	_ = 	snop;
	(pc) =	sbr.ind lr, $3  }
0x3a: {  	_ = 	snop  }
0x3b: {  	_ = 	snop  }
0x3c: {  	p2 =	seq.s32 s10, $0x1;
	s10 =	sld [smem:$0x3FB9]  }
0x3d: {  	_ =	shalt  }
0x3e: {  	_ =	shalt  }
0x3f: {  	_ =	shalt  }
0x40: {  	_ =	shalt  }
0x41: {  	_ =	shalt  }
0x42: {  	_ =	shalt  }
0x43: {  	_ =	shalt  }
0x44: {  	_ =	shalt  }
0x45: {  	_ =	shalt  }
0x46: {  	_ =	shalt  }
0x47: {  	_ =	shalt  }
0x48: {  	_ =	shalt  }
0x49: {  	_ =	shalt  }
0x4a: {  	_ =	shalt  }
0x4b: {  	_ =	shalt  }
0x4c: {  	_ =	shalt  }
0x4d: {  	_ =	shalt  }
0x4e: {  	_ =	shalt  }
0x4f: {  	_ =	shalt  }
0x50: {  	_ =	shalt  }
0x51: {  	_ =	shalt  }
0x52: {  	_ =	shalt  }
0x53: {  	_ =	shalt  }
0x54: {  	_ =	shalt  }
0x55: {  	_ =	shalt  }
0x56: {  	_ =	shalt  }
0x57: {  	_ =	shalt  }
0x58: {  	_ =	shalt  }
0x59: {  	_ =	shalt  }
0x5a: {  	_ =	shalt  }
0x5b: {  	_ =	shalt  }
0x5c: {  	_ =	shalt  }
0x5d: {  	_ =	shalt  }
0x5e: {  	_ =	shalt  }
0x5f: {  	_ =	shalt  }
0x60: {  	_ =	shalt  }
0x61: {  	_ =	shalt  }
0x62: {  	_ =	shalt  }
0x63: {  	_ =	shalt  }
0x64: {  	_ =	shalt  }
0x65: {  	_ =	shalt  }
0x66: {  	_ =	shalt  }
0x67: {  	_ =	shalt  }
0x68: {  	_ =	shalt  }
0x69: {  	_ =	shalt  }
0x6a: {  	_ =	shalt  }
0x6b: {  	_ =	shalt  }
0x6c: {  	_ =	shalt  }
0x6d: {  	_ =	shalt  }
0x6e: {  	_ =	shalt  }
0x6f: {  	_ =	shalt  }
0x70: {  	_ =	shalt  }
0x71: {  	_ =	shalt  }
0x72: {  	_ =	shalt  }
0x73: {  	_ =	shalt  }
0x74: {  	_ =	shalt  }
0x75: {  	_ =	shalt  }
0x76: {  	_ =	shalt  }
0x77: {  	_ =	shalt  }
0x78: {  	_ =	shalt  }
0x79: {  	_ =	shalt  }
0x7a: {  	_ =	shalt  }
0x7b: {  	_ =	shalt  }
0x7c: {  	_ =	shalt  }
0x7d: {  	_ =	shalt  }
0x7e: {  	_ =	shalt  }
0x7f: {  	_ =	shalt  }
0x80: {  	_ =	shalt  }
0x81: {  	_ =	shalt  }
0x82: {  	_ =	shalt  }
0x83: {  	_ =	shalt  }
0x84: {  	_ =	shalt  }
0x85: {  	_ =	shalt  }
0x86: {  	_ =	shalt  }
0x87: {  	_ =	shalt  }
.Lfunc_end0:
.L_simem_size_0:
called_computation_lowered:
.L_overlay_start_0:
0x88: {  	s2 =	sld [smem:$0x3FD9]  }
0x89: {  	s3 =	sld [smem:$0x3FFE];
	_ =	sdelay $0x1  }
0x8a: {  	s1 =	srdreg.scid  }
0x8b: {  	s0 =	sand.u32 $0x1, s1  }
0x8c: {  	s14 =	sshll.u32 s0, $0xA;
	s2 =	sadd.s32 s3, s2  }
0x8d: {  	s2 =	sadd.s32 s2, s14  }
0x8e: {  	[smem:$0x3FC5] =	sst s2  }
0x8f: {  	_ = 	snop  }
0x90: {  	s2 =	sld [smem:$0x3FD0];
	_ =	sdelay $0x2  }
0x91: {  	s4 =	simm.s32 $0xA;
	s5 =	simm.s32 $0x10;
	s15 =	sld [smem:$0x3FC7]  }
0x92: {  	[smem:s5], [sflag:s4] =	dma.local [hbm:s2], $0x1  }
0x93: {  	_ =	swait.eq [sflag:s4], $0x1  }
0x94: {  	[sflag:s4] =	ssyncset.done $0x0  }
0x95: {  	[sflag:s4] =	ssyncadd.s32 $0xFFFFFFFF  }
0x96: {  	s16 =	sld [smem:$0x10];
	(tm) =	ssettm $0x1  }
0x97: {  	s17 =	sld [smem:$0x3FFB];
	_ =	sdelay $0x3  }
0x98: {  	_ =	strace s17  }
0x99: {  	s4 =	sld [smem:$0x3FFC];
	_ =	sdelay $0x3  }
0x9a: {  	_ =	strace s4  }
0x9b: {  	s4 =	sld [smem:$0x3FFD];
	_ =	sdelay $0x3  }
0x9c: {  	_ =	strace s4  }
0x9d: {  	_ =	strace $0x8FFFFFFF  }
0x9e: {  	s18 =	sld [smem:$0x3FDB];
	_ =	sdelay $0x1  }
0x9f: {  	s19 =	simm.s32 $_scs_section_size  }
0xa0: {  	s6 =	simm.s32 $_size__tile_overlayer_lowered;
	s7 =	simm.s32 $_tile_overlayer_lowered  }
0xa1: {  	s22 =	simm.s32 $0x1BFF;
	s21 =	sshll.u32 s7, $0x1;
	s4 =	sadd.s32 s19, s18  }
0xa2: {  	s8 =	simm.s32 $0x0;
	s20 =	sshll.u32 s6, $0x1;
	s6 =	sadd.s32 s21, s4  }
0xa3: {  	[timem:s8], [sflag:s22] =	dma.local [hbm:s6], s20  }
0xa4: {  	_ =	swait.ge [sflag:s22], s20  }
0xa5: {  	s5 =	ssub.s32 $0x0, s20;
	[sflag:s22] =	ssyncset.done $0x0  }
0xa6: {  	[sflag:s22] =	ssyncadd.s32 s5;
	_ =	sdelay $0x1  }
0xa7: {  	s23 =	simm.s32 $0x1B8B  }
0xa8: {  	_ =	swait.ge [sflag:s23], $0x1  }
0xa9: {  	[sflag:s23] =	ssyncset.done $0x0  }
0xaa: {  	s25 =	simm.s32 $0x1B8E;
	s24 =	sld [smem:$0x3FFE];
	[sflag:s23] =	ssyncadd.s32 $0xFFFFFFFF  }
0xab: {  	s26 =	simm.s32 $execute0_lowered;
	[smem:$0x3FD2] =	sst s25  }
0xac: {  	s6 =	sshll.u32 s26, $0x1;
	_ =	strace $0x80000046;
	[dreg:$0x1] =	wrdreg $0xFFFFFFFF  }
0xad: {  	s28 =	simm.s32 $_size_execute0_lowered;
	s4 =	sadd.s32 s4, s6;
	[dreg:$0x0] =	wrdreg $0x0  }
0xae: {  	s6 =	sshll.u32 s28, $0x1;
	[dreg:$0x2] =	wrdreg s4  }
0xaf: {  	[dreg:$0x3] =	wrdreg s6  }
0xb0: {  	[dreg:$0x4] =	wrdreg $0xC0  }
0xb1: {  	_ =	task [dreg:s8], $0x5FFFF  }
0xb2: {  	[dreg:$0x1] =	wrdreg $0xFFFFFFFF  }
0xb3: {  	[dreg:$0x0] =	wrdreg $0x60  }
0xb4: {  	[dreg:$0x2] =	wrdreg s15  }
0xb5: {  	[dreg:$0x3] =	wrdreg s24  }
0xb6: {  	[dreg:$0x4] =	wrdreg s16  }
0xb7: {  	[dreg:$0x5] =	wrdreg $0x9  }
0xb8: {  	_ =	task.clear_ibuf [dreg:s8], $0x6FFFF;
	_ =	strace $0x90000046  }
0xb9: {  	s29 =	simm.s32 $0x9;
	_ =	strace $0x80000048  }
0xba: {  	_ =	swait.ge [sflag:s29], $0x1  }
0xbb: {  	[sflag:s29] =	ssyncadd.s32 $0xFFFFFFFF  }
0xbc: {  	_ =	strace $0x90000048  }
0xbd: {  	_ =	sfence  }
0xbe: {  	s30 =	sld [smem:$0x0];
	_ =	sdelay $0x2  }
0xbf: {  	s31 =	sshll.u32 s1, $0xD;
	s1 =	sshrl.u32 s1, $0x2  }
0xc0: {  	s3 =	sand.u32 $0x4000, s31;
	s1 =	sadd.s32 s1, s30  }
0xc1: {  	s0 =	sor.u32 s3, s0;
	s1 =	sshll.u32 s1, $0x11  }
0xc2: {  	s0 =	sor.u32 s1, s0  }
0xc3: {  	s0 =	sadd.s32 $0x8F2B, s0  }
0xc4: {  	[sflag:s0] =	ssyncadd.remote.s32 $0x1  }
0xc5: {  	_ =	sfence.sel $0xFFFF  }
0xc6: {  	[dreg:$0x0] =	wrdreg $0xFFFFFFFF;
	(pc) =	sbr.abs _section_cstart, $3  }
0xc7: {  	[dreg:$0x1] =	wrdreg $0xFFFFFFFF  }
0xc8: {  	_ =	task.clear_ibuf [dreg:s8], $0x2FFFF;
	_ =	strace $0x9FFFFFFF  }
0xc9: {  	(tm) =	ssettm $0x7FFFFFFF  }
tec
execute0_lowered:
.L_overlay_start_1:
0x0: {  	(tag) =	ssettag $0x1  }
0x1: {  	s26 =	rddreg [dreg:$0x0]  }
0x2: {  	s0 =	rddreg [dreg:$0x1]  }
0x3: {  	s1 =	rddreg [dreg:$0x2];
	s2 =	srdreg.scid;
	s3 =	simm.s32 $0x0  }
0x4: {  	s20 =	stileid.u32;
	[smem:$0x7FF] =	sst s3;
	s22 =	sadd.s32 $0x1C00, s26  }
0x5: {  	s13 =	sadd.s32 $0x800, s26;
	_ =	strace $0x80000047;
	[dreg:$0xc] =	wrdreg s22  }
0x6: {  	s28 =	simm.s32 $0x7800;
	s14 =	sadd.s32 $0xA00, s26;
	[dreg:$0xe] =	wrdreg s13  }
0x7: {  	s29 =	simm.s32 $0x8000;
	s15 =	sadd.s32 $0xC00, s26;
	[dreg:$0xf] =	wrdreg s14  }
0x8: {  	s30 =	simm.s32 $0x8800;
	s16 =	sadd.s32 $0xE00, s26;
	[dreg:$0x10] =	wrdreg s15  }
0x9: {  	s31 =	simm.s32 $0x9000;
	s17 =	sadd.s32 $0x1000, s26;
	[dreg:$0x11] =	wrdreg s16  }
0xa: {  	s2 =	sand.u32 $0x1, s2;
	s18 =	sadd.s32 $0x1200, s26;
	[dreg:$0x12] =	wrdreg s17  }
0xb: {  	s4 =	sshll.u32 s20, $0x1;
	s19 =	sadd.s32 $0x1400, s26;
	[dreg:$0x13] =	wrdreg s18  }
0xc: {  	s11 =	sadd.s32 $0x1800, s26;
	s12 =	sadd.s32 $0x1A00, s26;
	[dreg:$0x14] =	wrdreg s19  }
0xd: {  	s10 =	sshll.u32 s20, $0x13;
	s4 =	sor.u32 s2, s4;
	[dreg:$0x18] =	wrdreg s11  }
0xe: {  	s6 =	ssub.s32 $0x2, s2;
	s2 =	sshll.u32 s2, $0x12;
	[dreg:$0x1a] =	wrdreg s12  }
0xf: {  	s5 =	sshll.u32 s4, $0xA;
	s7 =	sshll.u32 s4, $0x4;
	s8 =	sshrl.u32 s6, $0x1  }
0x10: {  	s5 =	sadd.s32 s5, s0;
	s21 =	ssub.s32 s6, s8;
	s6 =	sadd.s32 $0x200, s26  }
0x11: {  	s0 =	sadd.s32 s7, s0;
	s7 =	sadd.s32 $0x400, s26;
	[dreg:$0x15] =	wrdreg s6  }
0x12: {  	s4 =	sshll.u32 s4, $0x12;
	s8 =	sadd.s32 $0x600, s26;
	[dreg:$0x17] =	wrdreg s7  }
0x13: {  	s4 =	sadd.s32 s4, s1;
	s9 =	sadd.s32 $0x400, s5;
	[dreg:$0x19] =	wrdreg s8  }
0x14: {  	s1 =	sadd.s32 s10, s1;
	s5 =	sadd.s32 $0x8400, s5;
	[dreg:$0x4] =	wrdreg s9  }
0x15: {  	s10 =	simm.s32 $0x7000;
	s1 =	sadd.s32 s2, s1;
	[dreg:$0x5] =	wrdreg s5  }
0x16: {  	s23 =	sadd.s32 $0x3E000, s4;
	s24 =	sadd.s32 $0x3E040, s4;
	[dreg:$0x6] =	wrdreg s1  }
0x17: {  	s0 =	sadd.s32 $0x10400, s0;
	s25 =	smax.u32 s21, $0x1;
	[dreg:$0x7] =	wrdreg s23  }
0x18: {  	s2 =	simm.s32 $0x4800;
	s4 =	simm.s32 $0x5000;
	[dreg:$0x8] =	wrdreg s24  }
0x19: {  	s21 =	simm.s32 $0x5800;
	s9 =	sadd.s32 $0x1600, s26;
	[dreg:$0x9] =	wrdreg s0  }
0x1a: {  	v0 =	vlaneseq.u32;
	s5 =	sadd.s32 $0x1E00, s26;
	[dreg:$0xa] =	wrdreg s25;
	s23 =	simm.s32 $0x6000  }
0x1b: {  	v2 =	vshrl.u32 v0, $0x2;
	s24 =	simm.s32 $0x6800;
	s20 =	smov.u32 s9;
	[dreg:$0xd] =	wrdreg s5  }
0x1c: {  	vm0 =	vmmov $0xffff;
	v1 =	vand.u32 $0x3, v0;
	v2 =	vmul.u32 $0x8, v2;
	s25 =	simm.s32 $0xC000;
	s1 =	simm.s32 $0x0;
	[dreg:$0x16] =	wrdreg s20  }
.LBB2_1:
0x1d: {  	[dreg:$0xb] =	wrdreg s1  }
0x1e: {  	s0 =	rddreg [dreg:$0x4];
	s9 =	simm.s32 $0x3  }
0x1f: {  	[tilespmem:s3], [sflag:$0x3] =	stream.linear.gather [hbm4b:s0+s3], $0x2000, $0x38;
	[tilespmem:$0x14080] =	vst v63  }
0x20: {  	_ =	swait.ge [sflag:s9], $0x2000  }
0x21: {  	[sflag:s9] =	ssyncset.done $0x0  }
0x22: {  	s1 =	simm.s32 $0x2000;
	s0 =	rddreg [dreg:$0x5];
	[sflag:s9] =	ssyncadd.s32 $0xFFFFE000  }
0x23: {  	[tilespmem:s1], [sflag:$0x3] =	stream.linear.gather [hbm4b:s0+s3], $0x2000, $0x38;
	[tilespmem:$0x14080] =	vst v63  }
0x24: {  	_ =	swait.ge [sflag:s9], $0x2000  }
0x25: {  	[sflag:s9] =	ssyncset.done $0x0  }
0x26: {  	[sflag:s9] =	ssyncadd.s32 $0xFFFFE000  }
0x27: {  	v3 =	vld.msk [tilespmem:$0x0], $0xf;
	_ =	sdelay $0x4  }
0x28: {  	v4 =	vshll.u32 v3, $0x6  }
0x29: {  	v3 =	vand.u32 $0x7, v3;
	v4 =	vand.u32 $0xFFFFFE00, v4  }
0x2a: {  	v3 =	vor.u32 v3, v4  }
0x2b: {  	v3 =	vperm.xlane v3, v1;
	_ =	sdelay $0x1  }
0x2c: {  	v3 =	vadd.s32 v2, v3;
	_ =	sdelay $0x3  }
0x2d: {  	s9 =	simm.s32 $0x4000  }
0x2e: {  	[tilespmem:s9], [sflag:$0x1] =	stream.indirect_vreg.gather [hbm4b:s26+s3], $0x80, v3, vm0, $0xb8;
	[tilespmem:$0x14080] =	vst v63  }
0x2f: {  	_ = 	snop  }
0x30: {  	[tilespmem:s2], [sflag:$0x1] =	stream.indirect_vreg.gather [hbm4b:s6+s3], $0x80, v3, vm0, $0xb8;
	[tilespmem:$0x14080] =	vst v63  }
0x31: {  	_ = 	snop  }
0x32: {  	[tilespmem:s4], [sflag:$0x1] =	stream.indirect_vreg.gather [hbm4b:s7+s3], $0x80, v3, vm0, $0xb8;
	[tilespmem:$0x14080] =	vst v63  }
0x33: {  	_ = 	snop  }
0x34: {  	[tilespmem:s21], [sflag:$0x1] =	stream.indirect_vreg.gather [hbm4b:s8+s3], $0x80, v3, vm0, $0xb8;
	[tilespmem:$0x14080] =	vst v63  }
0x35: {  	_ = 	snop  }
0x36: {  	[tilespmem:s23], [sflag:$0x1] =	stream.indirect_vreg.gather [hbm4b:s13+s3], $0x80, v3, vm0, $0xb8;
	[tilespmem:$0x14080] =	vst v63  }
0x37: {  	_ = 	snop  }
0x38: {  	[tilespmem:s24], [sflag:$0x1] =	stream.indirect_vreg.gather [hbm4b:s14+s3], $0x80, v3, vm0, $0xb8;
	[tilespmem:$0x14080] =	vst v63  }
0x39: {  	_ = 	snop  }
0x3a: {  	[tilespmem:s10], [sflag:$0x1] =	stream.indirect_vreg.gather [hbm4b:s15+s3], $0x80, v3, vm0, $0xb8;
	[tilespmem:$0x14080] =	vst v63  }
0x3b: {  	_ = 	snop  }
0x3c: {  	[tilespmem:s28], [sflag:$0x1] =	stream.indirect_vreg.gather [hbm4b:s16+s3], $0x80, v3, vm0, $0xb8;
	[tilespmem:$0x14080] =	vst v63  }
0x3d: {  	_ = 	snop  }
0x3e: {  	[tilespmem:s29], [sflag:$0x1] =	stream.indirect_vreg.gather [hbm4b:s17+s3], $0x80, v3, vm0, $0xb8;
	[tilespmem:$0x14080] =	vst v63  }
0x3f: {  	_ = 	snop  }
0x40: {  	[tilespmem:s30], [sflag:$0x1] =	stream.indirect_vreg.gather [hbm4b:s18+s3], $0x80, v3, vm0, $0xb8;
	[tilespmem:$0x14080] =	vst v63  }
0x41: {  	_ = 	snop  }
0x42: {  	[tilespmem:s31], [sflag:$0x1] =	stream.indirect_vreg.gather [hbm4b:s19+s3], $0x80, v3, vm0, $0xb8;
	[tilespmem:$0x14080] =	vst v63  }
0x43: {  	s23 =	simm.s32 $0x9800  }
0x44: {  	[tilespmem:s23], [sflag:$0x1] =	stream.indirect_vreg.gather [hbm4b:s20+s3], $0x80, v3, vm0, $0xb8;
	[tilespmem:$0x14080] =	vst v63  }
0x45: {  	s24 =	simm.s32 $0xA000  }
0x46: {  	[tilespmem:s24], [sflag:$0x1] =	stream.indirect_vreg.gather [hbm4b:s11+s3], $0x80, v3, vm0, $0xb8;
	[tilespmem:$0x14080] =	vst v63  }
0x47: {  	s28 =	simm.s32 $0xA800  }
0x48: {  	[tilespmem:s28], [sflag:$0x1] =	stream.indirect_vreg.gather [hbm4b:s12+s3], $0x80, v3, vm0, $0xb8;
	[tilespmem:$0x14080] =	vst v63  }
0x49: {  	s29 =	simm.s32 $0xB000  }
0x4a: {  	[tilespmem:s29], [sflag:$0x1] =	stream.indirect_vreg.gather [hbm4b:s22+s3], $0x80, v3, vm0, $0xb8;
	[tilespmem:$0x14080] =	vst v63  }
0x4b: {  	s1 =	simm.s32 $0xB800  }
0x4c: {  	[tilespmem:s1], [sflag:$0x1] =	stream.indirect_vreg.gather [hbm4b:s5+s3], $0x80, v3, vm0, $0xb8;
	[tilespmem:$0x14080] =	vst v63  }
0x4d: {  	v3 =	vld.msk [tilespmem:$0x80], $0xf;
	_ =	sdelay $0x4  }
0x4e: {  	v4 =	vshll.u32 v3, $0x6  }
0x4f: {  	v3 =	vand.u32 $0x7, v3;
	v4 =	vand.u32 $0xFFFFFE00, v4  }
0x50: {  	v3 =	vor.u32 v3, v4  }
0x51: {  	v3 =	vperm.xlane v3, v1;
	_ =	sdelay $0x1  }
0x52: {  	v3 =	vadd.s32 v2, v3;
	_ =	sdelay $0x4  }
0x53: {  	[tilespmem:s25], [sflag:$0x2] =	stream.indirect_vreg.gather [hbm4b:s26+s3], $0x80, v3, vm0, $0xb8;
	[tilespmem:$0x14080] =	vst v63  }
0x54: {  	s2 =	simm.s32 $0xC800  }
0x55: {  	[tilespmem:s2], [sflag:$0x2] =	stream.indirect_vreg.gather [hbm4b:s6+s3], $0x80, v3, vm0, $0xb8;
	[tilespmem:$0x14080] =	vst v63  }
0x56: {  	s4 =	simm.s32 $0xD000  }
0x57: {  	[tilespmem:s4], [sflag:$0x2] =	stream.indirect_vreg.gather [hbm4b:s7+s3], $0x80, v3, vm0, $0xb8;
	[tilespmem:$0x14080] =	vst v63  }
0x58: {  	s9 =	simm.s32 $0xD800  }
0x59: {  	[tilespmem:s9], [sflag:$0x2] =	stream.indirect_vreg.gather [hbm4b:s8+s3], $0x80, v3, vm0, $0xb8;
	[tilespmem:$0x14080] =	vst v63  }
0x5a: {  	s10 =	simm.s32 $0xE000  }
0x5b: {  	[tilespmem:s10], [sflag:$0x2] =	stream.indirect_vreg.gather [hbm4b:s13+s3], $0x80, v3, vm0, $0xb8;
	[tilespmem:$0x14080] =	vst v63  }
0x5c: {  	s13 =	simm.s32 $0xE800  }
0x5d: {  	[tilespmem:s13], [sflag:$0x2] =	stream.indirect_vreg.gather [hbm4b:s14+s3], $0x80, v3, vm0, $0xb8;
	[tilespmem:$0x14080] =	vst v63  }
0x5e: {  	s14 =	simm.s32 $0xF000  }
0x5f: {  	[tilespmem:s14], [sflag:$0x2] =	stream.indirect_vreg.gather [hbm4b:s15+s3], $0x80, v3, vm0, $0xb8;
	[tilespmem:$0x14080] =	vst v63  }
0x60: {  	s15 =	simm.s32 $0xF800  }
0x61: {  	[tilespmem:s15], [sflag:$0x2] =	stream.indirect_vreg.gather [hbm4b:s16+s3], $0x80, v3, vm0, $0xb8;
	[tilespmem:$0x14080] =	vst v63  }
0x62: {  	s16 =	simm.s32 $0x10000  }
0x63: {  	[tilespmem:s16], [sflag:$0x2] =	stream.indirect_vreg.gather [hbm4b:s17+s3], $0x80, v3, vm0, $0xb8;
	[tilespmem:$0x14080] =	vst v63  }
0x64: {  	s21 =	simm.s32 $0x10800  }
0x65: {  	[tilespmem:s21], [sflag:$0x2] =	stream.indirect_vreg.gather [hbm4b:s18+s3], $0x80, v3, vm0, $0xb8;
	[tilespmem:$0x14080] =	vst v63  }
0x66: {  	s23 =	simm.s32 $0x11000  }
0x67: {  	[tilespmem:s23], [sflag:$0x2] =	stream.indirect_vreg.gather [hbm4b:s19+s3], $0x80, v3, vm0, $0xb8;
	[tilespmem:$0x14080] =	vst v63  }
0x68: {  	s24 =	simm.s32 $0x11800  }
0x69: {  	[tilespmem:s24], [sflag:$0x2] =	stream.indirect_vreg.gather [hbm4b:s20+s3], $0x80, v3, vm0, $0xb8;
	[tilespmem:$0x14080] =	vst v63  }
0x6a: {  	s25 =	simm.s32 $0x12000  }
0x6b: {  	[tilespmem:s25], [sflag:$0x2] =	stream.indirect_vreg.gather [hbm4b:s11+s3], $0x80, v3, vm0, $0xb8;
	[tilespmem:$0x14080] =	vst v63  }
0x6c: {  	s26 =	simm.s32 $0x12800  }
0x6d: {  	[tilespmem:s26], [sflag:$0x2] =	stream.indirect_vreg.gather [hbm4b:s12+s3], $0x80, v3, vm0, $0xb8;
	[tilespmem:$0x14080] =	vst v63  }
0x6e: {  	s28 =	simm.s32 $0x13000  }
0x6f: {  	[tilespmem:s28], [sflag:$0x2] =	stream.indirect_vreg.gather [hbm4b:s22+s3], $0x80, v3, vm0, $0xb8;
	[tilespmem:$0x14080] =	vst v63  }
0x70: {  	s30 =	rddreg [dreg:$0x6];
	s31 =	simm.s32 $0x0;
	s29 =	simm.s32 $0x13800  }
0x71: {  	[tilespmem:s29], [sflag:$0x2] =	stream.indirect_vreg.gather [hbm4b:s5+s3], $0x80, v3, vm0, $0xb8;
	v3 =	vimm.f32 $0.0e+00;
	[tilespmem:$0x14080] =	vst v63  }
.LBB2_2:
0x72: {  	s0 =	simm.s32 $0x1  }
0x73: {  	_ =	swait.ge [sflag:s0], $0x8000  }
0x74: {  	[sflag:s0] =	ssyncset.done $0x0  }
0x75: {  	s4 =	sshra.s32 s31, $0x2;
	[sflag:s0] =	ssyncadd.s32 $0xFFFF8000  }
0x76: {  	v4 =	vld [tilespmem:s4+$0x2000];
	_ =	sdelay $0x4  }
0x77: {  	(v2sf) =	vpush v4, $0x0;
	_ =	sdelay $0x3  }
0x78: {  	(v2sf) =	vpush v4, $0x1;
	_ =	sdelay $0x6  }
0x79: {  	(v2sf) =	vpush v4, $0x2;
	_ =	sdelay $0x3  }
0x7a: {  	s0 =	spop (v2sf);
	(v2sf) =	vpush v4, $0x3;
	_ =	sdelay $0x1  }
0x7b: {  	s1 =	sshra.s32 s0, $0x1F  }
0x7c: {  	s5 =	simm.s32 $0x1;
	s1 =	sshrl.u32 s1, $0x1C  }
0x7d: {  	s24 =	simm.s32 $0x1;
	s28 =	spop (v2sf);
	s1 =	sadd.s32 s1, s0  }
0x7e: {  	s19 =	simm.s32 $0x4000;
	s9 =	sshra.s32 s28, $0x1F;
	s2 =	sand.u32 $0xFFFFFFF0, s1  }
0x7f: {  	p0 =	slt.s32 s0, $0x1;
	p1 =	sne.s32 s0, s2;
	s2 =	sshrl.u32 s9, $0x1C  }
0x80: {  	s20 =	simm.s32 $0x200;
	p0 =	por !p0, !p1;
	s2 =	sadd.s32 s2, s28  }
0x81: {  	p5 =	slt.s32 s28, $0x1;
	p0 =	por !p0, !p0;
	s10 =	sand.u32 $0xFFFFFFF0, s2  }
0x82: {  	s1 =	sshra.s32 s1, $0x4;
	s5 =	simm.s32 @!p0 $0x0;
	p6 =	sne.s32 s28, s10  }
0x83: {  	s2 =	sshra.s32 s2, $0x4;
	s1 =	ssub.s32 s1, s5;
	p0 =	por !p5, !p6  }
0x84: {  	s5 =	spop (v2sf);
	s22 =	sshll.u32 s1, $0x6;
	s1 =	sshll.u32 s1, $0x4  }
0x85: {  	p0 =	por !p0, !p0;
	s11 =	sshra.s32 s5, $0x1F;
	p1 =	slt.s32 s5, $0x1  }
0x86: {  	s22 =	sand.u32 $0xFFFFFE00, s22;
	s24 =	simm.s32 @!p0 $0x0;
	s1 =	sand.u32 $0x70, s1  }
0x87: {  	s2 =	ssub.s32 s2, s24;
	s1 =	sor.u32 s1, s22;
	s24 =	sshrl.u32 s11, $0x1C  }
0x88: {  	s12 =	sshll.u32 s2, $0x6;
	s24 =	sadd.s32 s24, s5;
	s22 =	spop (v2sf)  }
0x89: {  	s2 =	sshll.u32 s2, $0x4;
	s29 =	sand.u32 $0xFFFFFE00, s12;
	s23 =	sshra.s32 s22, $0x1F  }
0x8a: {  	s25 =	sand.u32 $0xFFFFFFF0, s24;
	s2 =	sand.u32 $0x70, s2;
	s23 =	sshrl.u32 s23, $0x1C  }
0x8b: {  	s13 =	sshra.s32 s24, $0x4;
	p2 =	sne.s32 s5, s25;
	s23 =	sadd.s32 s23, s22  }
0x8c: {  	s25 =	simm.s32 $0x1;
	p0 =	por !p1, !p2;
	s21 =	sand.u32 $0xFFFFFFF0, s23  }
0x8d: {  	p3 =	slt.s32 s22, $0x1;
	p0 =	por !p0, !p0;
	p4 =	sne.s32 s22, s21  }
0x8e: {  	s24 =	simm.s32 $0x1;
	s25 =	simm.s32 @!p0 $0x0;
	p0 =	por !p3, !p4  }
0x8f: {  	s2 =	sor.u32 s2, s29;
	s21 =	ssub.s32 s13, s25;
	p0 =	por !p0, !p0  }
0x90: {  	s23 =	sshra.s32 s23, $0x4;
	s25 =	sshll.u32 s21, $0x6;
	s24 =	simm.s32 @!p0 $0x0  }
0x91: {  	s21 =	sshll.u32 s21, $0x4;
	s25 =	sand.u32 $0xFFFFFE00, s25;
	s23 =	ssub.s32 s23, s24  }
0x92: {  	v7 =	vld [tilespmem:s1+$0x4000];
	s14 =	sand.u32 $0x70, s21;
	s15 =	sshll.u32 s23, $0x6;
	s23 =	sshll.u32 s23, $0x4  }
0x93: {  	v6 =	vld [tilespmem:s2+$0x4080];
	s1 =	sor.u32 s14, s25;
	s16 =	sand.u32 $0xFFFFFE00, s15;
	s17 =	sand.u32 $0x70, s23  }
0x94: {  	s26 =	simm.s32 $0x3;
	s9 =	simm.s32 $0x400;
	v5 =	vld [tilespmem:s1+$0x4100];
	s18 =	sor.u32 s17, s16  }
0x95: {  	v4 =	vld [tilespmem:s18+$0x4180];
	[hbm4b:s30+s20] =	stream.strided.scatter [tilespmem:s19], [sflag:$0x3], $0x8000, s9, s20, $0x38  }
0x96: {  	_ =	swait.ge [sflag:s26], $0x8000  }
0x97: {  	[sflag:s26] =	ssyncset.done $0x0  }
0x98: {  	[sflag:s26] =	ssyncadd.s32 $0xFFFF8000  }
0x99: {  	v8 =	vld.msk [tilespmem:s4+$0x100], $0xf;
	_ =	sdelay $0x4  }
0x9a: {  	v9 =	vshll.u32 v8, $0x6  }
0x9b: {  	v8 =	vand.u32 $0x7, v8;
	v9 =	vand.u32 $0xFFFFFE00, v9  }
0x9c: {  	v8 =	vor.u32 v8, v9  }
0x9d: {  	v8 =	vperm.xlane v8, v1;
	_ =	sdelay $0x1  }
0x9e: {  	v8 =	vadd.s32 v2, v8;
	_ =	sdelay $0x3  }
0x9f: {  	s17 =	rddreg [dreg:$0x0]  }
0xa0: {  	[tilespmem:s19], [sflag:$0x1] =	stream.indirect_vreg.gather [hbm4b:s17+s3], $0x80, v8, vm0, $0xb8;
	[tilespmem:$0x14080] =	vst v63  }
0xa1: {  	s21 =	simm.s32 $0x4800  }
0xa2: {  	[tilespmem:s21], [sflag:$0x1] =	stream.indirect_vreg.gather [hbm4b:s6+s3], $0x80, v8, vm0, $0xb8;
	[tilespmem:$0x14080] =	vst v63  }
0xa3: {  	s23 =	simm.s32 $0x5000  }
0xa4: {  	[tilespmem:s23], [sflag:$0x1] =	stream.indirect_vreg.gather [hbm4b:s7+s3], $0x80, v8, vm0, $0xb8;
	[tilespmem:$0x14080] =	vst v63  }
0xa5: {  	s24 =	simm.s32 $0x5800  }
0xa6: {  	[tilespmem:s24], [sflag:$0x1] =	stream.indirect_vreg.gather [hbm4b:s8+s3], $0x80, v8, vm0, $0xb8;
	[tilespmem:$0x14080] =	vst v63  }
0xa7: {  	s25 =	simm.s32 $0x6000;
	s18 =	rddreg [dreg:$0xe]  }
0xa8: {  	[tilespmem:s25], [sflag:$0x1] =	stream.indirect_vreg.gather [hbm4b:s18+s3], $0x80, v8, vm0, $0xb8;
	[tilespmem:$0x14080] =	vst v63  }
0xa9: {  	s29 =	simm.s32 $0x6800;
	s19 =	rddreg [dreg:$0xf]  }
0xaa: {  	[tilespmem:s29], [sflag:$0x1] =	stream.indirect_vreg.gather [hbm4b:s19+s3], $0x80, v8, vm0, $0xb8;
	[tilespmem:$0x14080] =	vst v63  }
0xab: {  	s2 =	simm.s32 $0x7000;
	s9 =	rddreg [dreg:$0x10]  }
0xac: {  	[tilespmem:s2], [sflag:$0x1] =	stream.indirect_vreg.gather [hbm4b:s9+s3], $0x80, v8, vm0, $0xb8;
	[tilespmem:$0x14080] =	vst v63  }
0xad: {  	s20 =	rddreg [dreg:$0x11];
	s6 =	simm.s32 $0x7800  }
0xae: {  	[tilespmem:s6], [sflag:$0x1] =	stream.indirect_vreg.gather [hbm4b:s20+s3], $0x80, v8, vm0, $0xb8;
	[tilespmem:$0x14080] =	vst v63  }
0xaf: {  	s10 =	rddreg [dreg:$0x12];
	s7 =	simm.s32 $0x8000  }
0xb0: {  	[tilespmem:s7], [sflag:$0x1] =	stream.indirect_vreg.gather [hbm4b:s10+s3], $0x80, v8, vm0, $0xb8;
	[tilespmem:$0x14080] =	vst v63  }
0xb1: {  	s14 =	rddreg [dreg:$0x13];
	s8 =	simm.s32 $0x8800  }
0xb2: {  	[tilespmem:s8], [sflag:$0x1] =	stream.indirect_vreg.gather [hbm4b:s14+s3], $0x80, v8, vm0, $0xb8;
	[tilespmem:$0x14080] =	vst v63  }
0xb3: {  	s11 =	simm.s32 $0x9000;
	s13 =	rddreg [dreg:$0x14]  }
0xb4: {  	[tilespmem:s11], [sflag:$0x1] =	stream.indirect_vreg.gather [hbm4b:s13+s3], $0x80, v8, vm0, $0xb8;
	[tilespmem:$0x14080] =	vst v63  }
0xb5: {  	s12 =	simm.s32 $0x9800;
	s11 =	rddreg [dreg:$0x16]  }
0xb6: {  	[tilespmem:s12], [sflag:$0x1] =	stream.indirect_vreg.gather [hbm4b:s11+s3], $0x80, v8, vm0, $0xb8;
	[tilespmem:$0x14080] =	vst v63  }
0xb7: {  	s15 =	simm.s32 $0xA000;
	s12 =	rddreg [dreg:$0x18]  }
0xb8: {  	[tilespmem:s15], [sflag:$0x1] =	stream.indirect_vreg.gather [hbm4b:s12+s3], $0x80, v8, vm0, $0xb8;
	[tilespmem:$0x14080] =	vst v63  }
0xb9: {  	s16 =	simm.s32 $0xA800;
	s15 =	rddreg [dreg:$0x1a]  }
0xba: {  	[tilespmem:s16], [sflag:$0x1] =	stream.indirect_vreg.gather [hbm4b:s15+s3], $0x80, v8, vm0, $0xb8;
	[tilespmem:$0x14080] =	vst v63  }
0xbb: {  	s21 =	simm.s32 $0xB000;
	s16 =	rddreg [dreg:$0xc]  }
0xbc: {  	[tilespmem:s21], [sflag:$0x1] =	stream.indirect_vreg.gather [hbm4b:s16+s3], $0x80, v8, vm0, $0xb8;
	[tilespmem:$0x14080] =	vst v63  }
0xbd: {  	s23 =	rddreg [dreg:$0xd];
	s24 =	simm.s32 $0xB800;
	s25 =	simm.s32 $0x2  }
0xbe: {  	[tilespmem:s24], [sflag:$0x1] =	stream.indirect_vreg.gather [hbm4b:s23+s3], $0x80, v8, vm0, $0xb8;
	[tilespmem:$0x14080] =	vst v63  }
0xbf: {  	_ =	swait.ge [sflag:s25], $0x8000  }
0xc0: {  	[sflag:s25] =	ssyncset.done $0x0  }
0xc1: {  	[sflag:s25] =	ssyncadd.s32 $0xFFFF8000  }
0xc2: {  	v57 =	vld [tilespmem:s4+$0x2080];
	_ =	sdelay $0x4  }
0xc3: {  	(v2sf) =	vpush v57, $0x0;
	_ =	sdelay $0x2  }
0xc4: {  	(v2sf) =	vpush v57, $0x1;
	_ =	sdelay $0x6  }
0xc5: {  	(v2sf) =	vpush v57, $0x2;
	_ =	sdelay $0x4  }
0xc6: {  	s1 =	spop (v2sf);
	(v2sf) =	vpush v57, $0x3  }
0xc7: {  	s29 =	sshra.s32 s1, $0x1F  }
0xc8: {  	s2 =	sshrl.u32 s29, $0x1C  }
0xc9: {  	s29 =	spop (v2sf);
	s2 =	sadd.s32 s2, s1  }
0xca: {  	s7 =	sshra.s32 s29, $0x1F;
	s6 =	sand.u32 $0xFFFFFFF0, s2  }
0xcb: {  	p5 =	slt.s32 s1, $0x1;
	s23 =	sshrl.u32 s7, $0x1C;
	p6 =	sne.s32 s1, s6  }
0xcc: {  	s21 =	simm.s32 $0x1;
	s23 =	sadd.s32 s23, s29;
	p0 =	por !p5, !p6  }
0xcd: {  	p1 =	slt.s32 s29, $0x1;
	s6 =	sand.u32 $0xFFFFFFF0, s23;
	p0 =	por !p0, !p0  }
0xce: {  	s2 =	sshra.s32 s2, $0x4;
	p2 =	sne.s32 s29, s6;
	s21 =	simm.s32 @!p0 $0x0  }
0xcf: {  	p0 =	por !p1, !p2;
	s21 =	ssub.s32 s2, s21  }
0xd0: {  	s2 =	spop (v2sf);
	s8 =	sshll.u32 s21, $0x6;
	s21 =	sshll.u32 s21, $0x4  }
0xd1: {  	p0 =	por !p0, !p0;
	s24 =	sand.u32 $0xFFFFFE00, s8;
	s21 =	sand.u32 $0x70, s21  }
0xd2: {  	s7 =	sshra.s32 s2, $0x1F;
	s21 =	sor.u32 s21, s24;
	s24 =	simm.s32 $0x1  }
0xd3: {  	s23 =	sshra.s32 s23, $0x4;
	s25 =	sshrl.u32 s7, $0x1C;
	s24 =	simm.s32 @!p0 $0x0  }
0xd4: {  	p3 =	slt.s32 s2, $0x1;
	s25 =	sadd.s32 s25, s2;
	s23 =	ssub.s32 s23, s24  }
0xd5: {  	v58 =	vld [tilespmem:s21+$0xC000];
	s21 =	simm.s32 $0xC000;
	s24 =	spop (v2sf);
	s8 =	sshll.u32 s23, $0x6  }
0xd6: {  	s7 =	sshra.s32 s24, $0x1F;
	s6 =	sand.u32 $0xFFFFFE00, s8;
	s8 =	sand.u32 $0xFFFFFFF0, s25  }
0xd7: {  	p6 =	slt.s32 s24, $0x1;
	s25 =	sshra.s32 s25, $0x4;
	s7 =	sshrl.u32 s7, $0x1C  }
0xd8: {  	p4 =	sne.s32 s2, s8;
	s8 =	sshll.u32 s23, $0x4;
	s7 =	sadd.s32 s7, s24  }
0xd9: {  	p0 =	por !p3, !p4;
	s8 =	sand.u32 $0x70, s8;
	s23 =	sand.u32 $0xFFFFFFF0, s7  }
0xda: {  	p0 =	por !p0, !p0;
	p5 =	sne.s32 s24, s23;
	s23 =	simm.s32 $0x1  }
0xdb: {  	s6 =	sor.u32 s8, s6;
	s23 =	simm.s32 @!p0 $0x0;
	p0 =	por !p6, !p5  }
0xdc: {  	s8 =	ssub.s32 s25, s23;
	p0 =	por !p0, !p0;
	s23 =	simm.s32 $0x1  }
0xdd: {  	s7 =	sshra.s32 s7, $0x4;
	s25 =	sshll.u32 s8, $0x6;
	s23 =	simm.s32 @!p0 $0x0  }
0xde: {  	s8 =	sshll.u32 s8, $0x4;
	s7 =	ssub.s32 s7, s23;
	s23 =	sand.u32 $0xFFFFFE00, s25  }
0xdf: {  	s8 =	sand.u32 $0x70, s8;
	s25 =	sshll.u32 s7, $0x6;
	s7 =	sshll.u32 s7, $0x4  }
0xe0: {  	v59 =	vld [tilespmem:s6+$0xC080];
	s8 =	sor.u32 s8, s23;
	s23 =	sand.u32 $0xFFFFFE00, s25;
	s7 =	sand.u32 $0x70, s7  }
0xe1: {  	s6 =	sadd.s32 $0x40, s30;
	v10 =	vld [tilespmem:s8+$0xC100];
	s8 =	rddreg [dreg:$0x19];
	s25 =	sor.u32 s7, s23  }
0xe2: {  	s7 =	rddreg [dreg:$0x17];
	s23 =	simm.s32 $0x200;
	v11 =	vld [tilespmem:s25+$0xC180];
	s25 =	simm.s32 $0x400  }
0xe3: {  	[hbm4b:s6+s23] =	stream.strided.scatter [tilespmem:s21], [sflag:$0x3], $0x8000, s25, s23, $0x38;
	[tilespmem:$0x14080] =	vst v63  }
0xe4: {  	s6 =	rddreg [dreg:$0x15];
	_ =	swait.ge [sflag:s26], $0x8000  }
0xe5: {  	[sflag:s26] =	ssyncset.done $0x0  }
0xe6: {  	[sflag:s26] =	ssyncadd.s32 $0xFFFF8000  }
0xe7: {  	v12 =	vld.msk [tilespmem:s4+$0x180], $0xf;
	_ =	sdelay $0x4  }
0xe8: {  	v13 =	vshll.u32 v12, $0x6  }
0xe9: {  	v12 =	vand.u32 $0x7, v12;
	v13 =	vand.u32 $0xFFFFFE00, v13  }
0xea: {  	v12 =	vor.u32 v12, v13  }
0xeb: {  	v12 =	vperm.xlane v12, v1;
	_ =	sdelay $0x1  }
0xec: {  	v12 =	vadd.s32 v2, v12;
	_ =	sdelay $0x4  }
0xed: {  	[tilespmem:s21], [sflag:$0x2] =	stream.indirect_vreg.gather [hbm4b:s17+s3], $0x80, v12, vm0, $0xb8;
	[tilespmem:$0x14080] =	vst v63  }
0xee: {  	s21 =	simm.s32 $0xC800  }
0xef: {  	[tilespmem:s21], [sflag:$0x2] =	stream.indirect_vreg.gather [hbm4b:s6+s3], $0x80, v12, vm0, $0xb8;
	[tilespmem:$0x14080] =	vst v63  }
0xf0: {  	s23 =	simm.s32 $0xD000  }
0xf1: {  	[tilespmem:s23], [sflag:$0x2] =	stream.indirect_vreg.gather [hbm4b:s7+s3], $0x80, v12, vm0, $0xb8;
	[tilespmem:$0x14080] =	vst v63  }
0xf2: {  	s26 =	simm.s32 $0xD800  }
0xf3: {  	[tilespmem:s26], [sflag:$0x2] =	stream.indirect_vreg.gather [hbm4b:s8+s3], $0x80, v12, vm0, $0xb8;
	[tilespmem:$0x14080] =	vst v63  }
0xf4: {  	s17 =	simm.s32 $0xE000  }
0xf5: {  	[tilespmem:s17], [sflag:$0x2] =	stream.indirect_vreg.gather [hbm4b:s18+s3], $0x80, v12, vm0, $0xb8;
	[tilespmem:$0x14080] =	vst v63  }
0xf6: {  	s18 =	simm.s32 $0xE800  }
0xf7: {  	[tilespmem:s18], [sflag:$0x2] =	stream.indirect_vreg.gather [hbm4b:s19+s3], $0x80, v12, vm0, $0xb8;
	[tilespmem:$0x14080] =	vst v63  }
0xf8: {  	s21 =	simm.s32 $0xF000  }
0xf9: {  	[tilespmem:s21], [sflag:$0x2] =	stream.indirect_vreg.gather [hbm4b:s9+s3], $0x80, v12, vm0, $0xb8;
	[tilespmem:$0x14080] =	vst v63  }
0xfa: {  	s0 =	sand.u32 $0xF, s0;
	s23 =	simm.s32 $0xF800  }
0xfb: {  	v60 =	vmov s0;
	[tilespmem:s23], [sflag:$0x2] =	stream.indirect_vreg.gather [hbm4b:s20+s3], $0x80, v12, vm0, $0xb8;
	[tilespmem:$0x14080] =	vst v63  }
0xfc: {  	vm1 =	veq.s32 v60, v0;
	s26 =	sand.u32 $0xF, s28;
	s28 =	simm.s32 $0x10000  }
0xfd: {  	v7 =	vnsel vm1, $0x0, v7;
	v61 =	vmov s26;
	[tilespmem:s28], [sflag:$0x2] =	stream.indirect_vreg.gather [hbm4b:s10+s3], $0x80, v12, vm0, $0xb8;
	[tilespmem:$0x14080] =	vst v63  }
0xfe: {  	v3 =	vadd.f32 v7, v3;
	vm1 =	veq.s32 v61, v0;
	s9 =	sand.u32 $0xF, s5;
	s10 =	simm.s32 $0x10800  }
0xff: {  	v6 =	vnsel vm1, $0x0, v6;
	v62 =	vmov s9;
	[tilespmem:s10], [sflag:$0x2] =	stream.indirect_vreg.gather [hbm4b:s14+s3], $0x80, v12, vm0, $0xb8;
	[tilespmem:$0x14080] =	vst v63  }
0x100: {  	s17 =	simm.s32 $0x11000;
	v3 =	vadd.f32 v3, v6;
	vm1 =	veq.s32 v62, v0;
	s14 =	sand.u32 $0xF, s22  }
0x101: {  	v5 =	vnsel vm1, $0x0, v5;
	v63 =	vmov s14;
	[tilespmem:s17], [sflag:$0x2] =	stream.indirect_vreg.gather [hbm4b:s13+s3], $0x80, v12, vm0, $0xb8;
	[tilespmem:$0x14080] =	vst v63  }
0x102: {  	s18 =	sand.u32 $0xF, s1;
	s19 =	simm.s32 $0x11800;
	v3 =	vadd.f32 v3, v5;
	vm1 =	veq.s32 v63, v0  }
0x103: {  	v5 =	vmov s18;
	v4 =	vnsel vm1, $0x0, v4;
	[tilespmem:s19], [sflag:$0x2] =	stream.indirect_vreg.gather [hbm4b:s11+s3], $0x80, v12, vm0, $0xb8;
	[tilespmem:$0x14080] =	vst v63  }
0x104: {  	s21 =	simm.s32 $0x12000;
	s20 =	sand.u32 $0xF, s29;
	vm1 =	veq.s32 v5, v0;
	v3 =	vadd.f32 v3, v4  }
0x105: {  	v4 =	vmov s20;
	v5 =	vnsel vm1, $0x0, v58;
	[tilespmem:s21], [sflag:$0x2] =	stream.indirect_vreg.gather [hbm4b:s12+s3], $0x80, v12, vm0, $0xb8;
	[tilespmem:$0x14080] =	vst v63  }
0x106: {  	p0 =	sne.s32 s31, $0x7800;
	s23 =	simm.s32 $0x12800;
	s22 =	sand.u32 $0xF, s2;
	vm1 =	veq.s32 v4, v0;
	v3 =	vadd.f32 v5, v3  }
0x107: {  	v4 =	vmov s22;
	v5 =	vnsel vm1, $0x0, v59;
	[tilespmem:s23], [sflag:$0x2] =	stream.indirect_vreg.gather [hbm4b:s15+s3], $0x80, v12, vm0, $0xb8;
	[tilespmem:$0x14080] =	vst v63  }
.Ltmp0:
0x108: {  	s24 =	sand.u32 $0xF, s24;
	vm1 =	veq.s32 v4, v0;
	v3 =	vadd.f32 v3, v5;
	(pc) =	sbr.rel @p0 .LBB2_2-.Ltmp0, $4  }
0x109: {  	s30 =	sadd.s32 $0x2000, s30;
	s31 =	sadd.s32 $0x400, s31;
	s26 =	simm.s32 $0x13000;
	v4 =	vmov s24;
	v5 =	vnsel vm1, $0x0, v10  }
0x10a: {  	vm1 =	veq.s32 v4, v0;
	[tilespmem:s26], [sflag:$0x2] =	stream.indirect_vreg.gather [hbm4b:s16+s3], $0x80, v12, vm0, $0xb8;
	v3 =	vadd.f32 v3, v5;
	[tilespmem:$0x14080] =	vst v63  }
0x10b: {  	s25 =	simm.s32 $0xC000;
	s29 =	rddreg [dreg:$0xd];
	s28 =	simm.s32 $0x13800;
	v4 =	vnsel vm1, $0x0, v11  }
0x10c: {  	[tilespmem:s28], [sflag:$0x2] =	stream.indirect_vreg.gather [hbm4b:s29+s3], $0x80, v12, vm0, $0xb8;
	v3 =	vadd.f32 v3, v4;
	[tilespmem:$0x14080] =	vst v63  }
0x10d: {  	s0 =	simm.s32 $0x1  }
0x10e: {  	_ =	swait.ge [sflag:s0], $0x8000  }
0x10f: {  	[sflag:s0] =	ssyncset.done $0x0  }
0x110: {  	[sflag:s0] =	ssyncadd.s32 $0xFFFF8000  }
0x111: {  	v4 =	vld [tilespmem:$0x3F00];
	_ =	sdelay $0x4  }
0x112: {  	(v2sf) =	vpush v4, $0x0;
	_ =	sdelay $0x4  }
0x113: {  	(v2sf) =	vpush v4, $0x1;
	_ =	sdelay $0x5  }
0x114: {  	(v2sf) =	vpush v4, $0x2;
	_ =	sdelay $0x3  }
0x115: {  	s1 =	spop (v2sf)  }
0x116: {  	(v2sf) =	vpush v4, $0x3;
	s20 =	sshra.s32 s1, $0x1F  }
0x117: {  	s0 =	sshrl.u32 s20, $0x1C  }
0x118: {  	s0 =	sadd.s32 s0, s1  }
0x119: {  	s2 =	sand.u32 $0xFFFFFFF0, s0  }
0x11a: {  	s5 =	simm.s32 $0x1;
	p1 =	sne.s32 s1, s2;
	s2 =	spop (v2sf)  }
0x11b: {  	s15 =	simm.s32 $0x4000;
	p0 =	slt.s32 s1, $0x1;
	s4 =	sshra.s32 s2, $0x1F  }
0x11c: {  	s14 =	rddreg [dreg:$0x7];
	p0 =	por !p0, !p1;
	s4 =	sshrl.u32 s4, $0x1C  }
0x11d: {  	s0 =	sshra.s32 s0, $0x4;
	p0 =	por !p0, !p0;
	s4 =	sadd.s32 s4, s2  }
0x11e: {  	p5 =	slt.s32 s2, $0x1;
	s5 =	simm.s32 @!p0 $0x0;
	s21 =	sand.u32 $0xFFFFFFF0, s4  }
0x11f: {  	s0 =	ssub.s32 s0, s5;
	s7 =	sshra.s32 s4, $0x4;
	p6 =	sne.s32 s2, s21  }
0x120: {  	s4 =	spop (v2sf);
	s6 =	sshll.u32 s0, $0x6;
	p0 =	por !p5, !p6  }
0x121: {  	s22 =	sand.u32 $0xFFFFFE00, s6;
	s6 =	simm.s32 $0x1;
	p0 =	por !p0, !p0  }
0x122: {  	s0 =	sshll.u32 s0, $0x4;
	s23 =	sshra.s32 s4, $0x1F;
	s6 =	simm.s32 @!p0 $0x0  }
0x123: {  	p1 =	slt.s32 s4, $0x1;
	s0 =	sand.u32 $0x70, s0;
	s6 =	ssub.s32 s7, s6  }
0x124: {  	s5 =	sor.u32 s0, s22;
	s7 =	sshrl.u32 s23, $0x1C;
	s24 =	sshll.u32 s6, $0x6  }
0x125: {  	s7 =	sadd.s32 s7, s4;
	s0 =	spop (v2sf);
	s6 =	sshll.u32 s6, $0x4  }
0x126: {  	s8 =	sand.u32 $0xFFFFFE00, s24;
	s21 =	sand.u32 $0xFFFFFFF0, s7;
	s22 =	sshra.s32 s0, $0x1F  }
0x127: {  	s6 =	sand.u32 $0x70, s6;
	p3 =	slt.s32 s0, $0x1;
	s26 =	sshrl.u32 s22, $0x1C  }
0x128: {  	s7 =	sshra.s32 s7, $0x4;
	p2 =	sne.s32 s4, s21;
	s21 =	sadd.s32 s26, s0  }
0x129: {  	s22 =	simm.s32 $0x1;
	p0 =	por !p1, !p2;
	s23 =	sand.u32 $0xFFFFFFF0, s21  }
0x12a: {  	s6 =	sor.u32 s6, s8;
	p0 =	por !p0, !p0;
	p4 =	sne.s32 s0, s23  }
0x12b: {  	s8 =	simm.s32 $0x1;
	s22 =	simm.s32 @!p0 $0x0;
	p0 =	por !p3, !p4  }
0x12c: {  	s26 =	simm.s32 $0x200;
	s7 =	ssub.s32 s7, s22;
	p0 =	por !p0, !p0  }
0x12d: {  	s21 =	sshra.s32 s21, $0x4;
	s22 =	sshll.u32 s7, $0x6;
	s8 =	simm.s32 @!p0 $0x0  }
0x12e: {  	s7 =	sshll.u32 s7, $0x4;
	s22 =	sand.u32 $0xFFFFFE00, s22;
	s8 =	ssub.s32 s21, s8  }
0x12f: {  	v47 =	vld [tilespmem:s5+$0x4000];
	s9 =	sand.u32 $0x70, s7;
	s10 =	sshll.u32 s8, $0x6;
	s8 =	sshll.u32 s8, $0x4  }
0x130: {  	v5 =	vld [tilespmem:s6+$0x4080];
	s5 =	sor.u32 s9, s22;
	s11 =	sand.u32 $0xFFFFFE00, s10;
	s12 =	sand.u32 $0x70, s8  }
0x131: {  	s9 =	simm.s32 $0x3;
	v6 =	vld [tilespmem:s5+$0x4100];
	s10 =	simm.s32 $0x400;
	s13 =	sor.u32 s12, s11  }
0x132: {  	v7 =	vld [tilespmem:s13+$0x4180];
	[hbm4b:s14+s26] =	stream.strided.scatter [tilespmem:s15], [sflag:$0x3], $0x8000, s10, s26, $0x38  }
0x133: {  	_ =	swait.ge [sflag:s9], $0x8000  }
0x134: {  	[sflag:s9] =	ssyncset.done $0x0  }
0x135: {  	s16 =	simm.s32 $0x2;
	[sflag:s9] =	ssyncadd.s32 $0xFFFF8000  }
0x136: {  	_ =	swait.ge [sflag:s16], $0x8000  }
0x137: {  	[sflag:s16] =	ssyncset.done $0x0  }
0x138: {  	[sflag:s16] =	ssyncadd.s32 $0xFFFF8000  }
0x139: {  	v8 =	vld [tilespmem:$0x3F80];
	_ =	sdelay $0x4  }
0x13a: {  	(v2sf) =	vpush v8, $0x0;
	_ =	sdelay $0x3  }
0x13b: {  	(v2sf) =	vpush v8, $0x1;
	_ =	sdelay $0x3  }
0x13c: {  	(v2sf) =	vpush v8, $0x2;
	_ =	sdelay $0x6  }
0x13d: {  	s24 =	spop (v2sf);
	(v2sf) =	vpush v8, $0x3  }
0x13e: {  	s20 =	sand.u32 $0xF, s1  }
0x13f: {  	s2 =	sand.u32 $0xF, s2;
	s23 =	simm.s32 $0x1;
	s17 =	sshra.s32 s24, $0x1F  }
0x140: {  	s0 =	sand.u32 $0xF, s0;
	s8 =	simm.s32 $0x1;
	s5 =	sshrl.u32 s17, $0x1C  }
0x141: {  	s22 =	spop (v2sf);
	p5 =	slt.s32 s24, $0x1;
	s18 =	sadd.s32 s5, s24  }
0x142: {  	s19 =	sshra.s32 s22, $0x1F;
	p1 =	slt.s32 s22, $0x1;
	s5 =	sand.u32 $0xFFFFFFF0, s18  }
0x143: {  	s7 =	sshrl.u32 s19, $0x1C;
	s19 =	sand.u32 $0xF, s4;
	p6 =	sne.s32 s24, s5  }
0x144: {  	s4 =	simm.s32 $0x1;
	s6 =	sshra.s32 s18, $0x4;
	p0 =	por !p5, !p6  }
0x145: {  	s7 =	sadd.s32 s7, s22;
	s5 =	spop (v2sf);
	p0 =	por !p0, !p0  }
0x146: {  	s12 =	sand.u32 $0xFFFFFFF0, s7;
	s7 =	sshra.s32 s7, $0x4;
	s8 =	simm.s32 @!p0 $0x0  }
0x147: {  	p2 =	sne.s32 s22, s12;
	s14 =	sshra.s32 s5, $0x1F;
	s11 =	ssub.s32 s6, s8  }
0x148: {  	p4 =	slt.s32 s5, $0x1;
	p0 =	por !p1, !p2;
	s8 =	sshll.u32 s11, $0x6  }
0x149: {  	p0 =	por !p0, !p0;
	s13 =	sand.u32 $0xFFFFFE00, s8;
	s8 =	simm.s32 $0x1  }
0x14a: {  	s15 =	sshrl.u32 s14, $0x1C;
	s1 =	sshll.u32 s11, $0x4;
	s8 =	simm.s32 @!p0 $0x0  }
0x14b: {  	s1 =	sand.u32 $0x70, s1;
	s7 =	ssub.s32 s7, s8;
	s8 =	sadd.s32 s15, s5  }
0x14c: {  	s6 =	sor.u32 s1, s13;
	s28 =	sand.u32 $0xFFFFFFF0, s8;
	s1 =	spop (v2sf)  }
0x14d: {  	s15 =	sand.u32 $0xF, s24;
	p3 =	sne.s32 s5, s28;
	s28 =	sshra.s32 s1, $0x1F  }
0x14e: {  	v48 =	vmov s20;
	s16 =	sshll.u32 s7, $0x6;
	s7 =	sshll.u32 s7, $0x4;
	s28 =	sshrl.u32 s28, $0x1C  }
0x14f: {  	vm1 =	veq.s32 v48, v0;
	s20 =	sshra.s32 s8, $0x4;
	s17 =	sand.u32 $0xFFFFFE00, s16;
	s18 =	sadd.s32 s28, s1  }
0x150: {  	v49 =	vmov s2;
	v4 =	vnsel vm1, $0x0, v47;
	s7 =	sand.u32 $0x70, s7;
	p0 =	por !p4, !p3;
	s28 =	sand.u32 $0xFFFFFFF0, s18  }
0x151: {  	vm1 =	veq.s32 v49, v0;
	v3 =	vadd.f32 v4, v3;
	p6 =	slt.s32 s1, $0x1;
	p0 =	por !p0, !p0;
	p5 =	sne.s32 s1, s28  }
0x152: {  	v5 =	vnsel vm1, $0x0, v5;
	v50 =	vmov s19;
	s7 =	sor.u32 s7, s17;
	s23 =	simm.s32 @!p0 $0x0;
	p0 =	por !p6, !p5  }
0x153: {  	v3 =	vadd.f32 v3, v5;
	vm1 =	veq.s32 v50, v0;
	v51 =	vld [tilespmem:s6+$0xC000];
	s11 =	ssub.s32 s20, s23;
	s12 =	sshra.s32 s18, $0x4;
	p0 =	por !p0, !p0  }
0x154: {  	v52 =	vmov s0;
	v53 =	vnsel vm1, $0x0, v6;
	s14 =	sshll.u32 s11, $0x6;
	s2 =	sshll.u32 s11, $0x4;
	s4 =	simm.s32 @!p0 $0x0  }
0x155: {  	vm1 =	veq.s32 v52, v0;
	v3 =	vadd.f32 v3, v53;
	v54 =	vld [tilespmem:s7+$0xC080];
	s2 =	sand.u32 $0x70, s2;
	s13 =	ssub.s32 s12, s4;
	s4 =	sand.u32 $0xFFFFFE00, s14  }
0x156: {  	v56 =	vnsel vm1, $0x0, v7;
	v55 =	vmov s15;
	s2 =	sor.u32 s2, s4;
	s16 =	sshll.u32 s13, $0x6;
	s0 =	sshll.u32 s13, $0x4  }
0x157: {  	v3 =	vadd.f32 v3, v56;
	vm1 =	veq.s32 v55, v0;
	s17 =	sand.u32 $0xF, s22;
	v57 =	vld [tilespmem:s2+$0xC100];
	s18 =	sand.u32 $0xFFFFFE00, s16;
	s0 =	sand.u32 $0x70, s0  }
0x158: {  	v59 =	vmov s17;
	v58 =	vnsel vm1, $0x0, v51;
	s0 =	sor.u32 s0, s18  }
0x159: {  	s19 =	sand.u32 $0xF, s5;
	vm1 =	veq.s32 v59, v0;
	v3 =	vadd.f32 v58, v3;
	v60 =	vld [tilespmem:s0+$0xC180]  }
0x15a: {  	s21 =	rddreg [dreg:$0x8];
	v61 =	vmov s19;
	v6 =	vnsel vm1, $0x0, v54  }
0x15b: {  	s6 =	rddreg [dreg:$0x15];
	s20 =	sand.u32 $0xF, s1;
	vm1 =	veq.s32 v61, v0;
	v3 =	vadd.f32 v3, v6  }
0x15c: {  	s8 =	rddreg [dreg:$0x19];
	v62 =	vmov s20;
	v4 =	vnsel vm1, $0x0, v57  }
0x15d: {  	[hbm4b:s21+s26] =	stream.strided.scatter [tilespmem:s25], [sflag:$0x3], $0x8000, s10, s26, $0x38;
	vm1 =	veq.s32 v62, v0;
	v3 =	vadd.f32 v3, v4;
	[tilespmem:$0x14080] =	vst v63  }
0x15e: {  	s7 =	rddreg [dreg:$0x17];
	_ =	swait.ge [sflag:s9], $0x8000;
	v63 =	vnsel vm1, $0x0, v60  }
0x15f: {  	[sflag:s9] =	ssyncset.done $0x0;
	v3 =	vadd.f32 v3, v63  }
0x160: {  	[sflag:s9] =	ssyncadd.s32 $0xFFFF8000  }
0x161: {  	s23 =	simm.s32 $0x14000;
	s22 =	rddreg [dreg:$0x9];
	[tilespmem:$0x14000] =	vst v3  }
0x162: {  	[hbm4b:s22+s3] =	stream.linear.scatter [tilespmem:s23], [sflag:$0x3], $0x80, $0x38;
	[tilespmem:$0x14080] =	vst v63  }
0x163: {  	_ =	swait.ge [sflag:s9], $0x80  }
0x164: {  	s24 =	rddreg [dreg:$0xb]  }
0x165: {  	s26 =	rddreg [dreg:$0xa]  }
0x166: {  	s13 =	rddreg [dreg:$0xe]  }
0x167: {  	s14 =	rddreg [dreg:$0xf]  }
0x168: {  	s15 =	rddreg [dreg:$0x10]  }
0x169: {  	s16 =	rddreg [dreg:$0x11]  }
0x16a: {  	s17 =	rddreg [dreg:$0x12]  }
0x16b: {  	s29 =	simm.s32 $0x8000;
	s18 =	rddreg [dreg:$0x13]  }
0x16c: {  	s30 =	simm.s32 $0x8800;
	s19 =	rddreg [dreg:$0x14];
	s1 =	sadd.s32 $0x1, s24  }
0x16d: {  	s31 =	simm.s32 $0x9000;
	s20 =	rddreg [dreg:$0x16];
	p0 =	sne.s32 s1, s26  }
.Ltmp1:
0x16e: {  	s28 =	simm.s32 $0x7800;
	s11 =	rddreg [dreg:$0x18];
	(pc) =	sbr.rel @p0 .LBB2_1-.Ltmp1, $4  }
0x16f: {  	s4 =	simm.s32 $0x5000;
	s2 =	simm.s32 $0x4800;
	s12 =	rddreg [dreg:$0x1a]  }
0x170: {  	s21 =	simm.s32 $0x5800;
	[sflag:s9] =	ssyncset.done $0x0;
	s22 =	rddreg [dreg:$0xc]  }
0x171: {  	s10 =	simm.s32 $0x7000;
	s5 =	rddreg [dreg:$0xd];
	[sflag:s9] =	ssyncadd.s32 $0xFFFFFF80  }
0x172: {  	s23 =	simm.s32 $0x6000;
	s24 =	simm.s32 $0x6800;
	s26 =	rddreg [dreg:$0x0]  }
0x173: {  	_ =	sfence.sel $0x180000  }
0x174: {  	[bflag:$0x0] =	sbarrier.arrive $0xFFFF  }
0x175: {  	_ =	strace $0x90000047  }
0x176: {  	s0 =	stileid.u32;
	[bflag:$0x2] =	sbarrier.arrive $0xFFFF  }
0x177: {  	p0 =	sne.s32 s0, $0x0;
	s0 =	rddreg [dreg:$0x3]  }
0x178: {  	s0 =	sadd.s32 @!p0 $0x100000, s0  }
0x179: {  	[sflag:s0] =	ssyncadd.tile.s32 @!p0 $0x1;
	_ =	shalt  }
.Lfunc_end2:
_tile_overlayer_lowered:
.L_overlay_start_2:
0x17a: {  	(tag) =	ssettag $0x2  }
0x17b: {  	s0 =	rddreg [dreg:$0x0];
	s2 =	stileid.u32  }
0x17c: {  	s1 =	rddreg [dreg:$0x1];
	p0 =	sne.s32 s2, $0x0  }
0x17d: {  	s3 =	rddreg [dreg:$0x2];
	[bflag:$0x3] =	sbarrier.arrive $0xFFFF;
	s2 =	simm.s32 @!p0 $0x1C03  }
0x17e: {  	[timem:s3], [sflag:s2] =	dma.local @!p0 [hbm:s0], s1  }
0x17f: {  	s0 =	simm.s32 @!p0 $0x3  }
0x180: {  	_ =	swait.ge @!p0 [sflag:s0], s1  }
0x181: {  	s1 =	ssub.s32 @!p0 $0x0, s1;
	[sflag:s0] =	ssyncset.done @!p0 $0x0  }
0x182: {  	[sflag:s0] =	ssyncadd.s32 @!p0 s1  }
0x183: {  	[bflag:$0x3] =	sbarrier.arrive $0xFFFF  }
0x184: {  	_ =	shalt  }

// kernel: kernel.8.cloned.1.call-start
scs
__scs_entry_jumppad:
0x0: {  	(pc) =	sbr.rel $0x88, $3  }
0x1: {  	(tag) =	ssettag $0x0;
	lr =	simm.s32 $0x1  }
0x2: {  	[smem:$0x3F9E] =	sst lr;
	_ =	strace $0xD0000000  }
0x3: {  	_ = 	snop  }
0x4: {  	_ = 	snop  }
0x5: {  	_ = 	snop  }
0x6: {  	_ = 	snop  }
0x7: {  	_ = 	snop  }
__scs_overlays_trampoline_lowered:
0x8: {  	[smem:$0x3FAD] =	sst s0  }
0x9: {  	[smem:$0x3FAE] =	sst s1  }
0xa: {  	[smem:$0x3FAF] =	sst s2  }
0xb: {  	[smem:$0x3FB0] =	sst s3  }
0xc: {  	[smem:$0x3FB1] =	sst s4  }
0xd: {  	[smem:$0x3FB2] =	sst s5  }
0xe: {  	[smem:$0x3FB3] =	sst s6  }
0xf: {  	[smem:$0x3FB4] =	sst s7  }
0x10: {  	[smem:$0x3FB5] =	sst s8  }
0x11: {  	[smem:$0x3FB6] =	sst s9;
	s0 =	simm.s32 @!p0 $0x0  }
0x12: {  	s1 =	sld [smem:$0x3F9C];
	s0 =	simm.s32 @p0 $0x1  }
0x13: {  	[smem:$0x3FB7] =	sst s0;
	s0 =	simm.s32 @!p1 $0x0  }
0x14: {  	s2 =	sld [smem:$0x3F9B];
	s0 =	simm.s32 @p1 $0x1  }
0x15: {  	[smem:$0x3FB8] =	sst s0;
	s0 =	simm.s32 @!p2 $0x0  }
0x16: {  	s3 =	sld [smem:$0x3FDB];
	s0 =	simm.s32 @p2 $0x1  }
0x17: {  	s4 =	simm.s32 $0x1BF5;
	[smem:$0x3FBA] =	sst s0  }
0x18: {  	s0 =	sld [smem:$0x3F9D];
	_ =	swait.ge [sflag:s4], $0x0  }
0x19: {  	s7 =	sld [smem:$0x3F9E]  }
0x1a: {  	s8 =	sadd.s32 $0xFFFFE003, lr  }
0x1b: {  	s9 =	sadd.s32 $0xFFFFFEF7, lr;
	s5 =	simm.s32 $0xFFFFFFFF;
	p2 =	slt.u32 s8, $0xFFFFF086  }
0x1c: {  	p1 =	slt.u32 s9, $0xF7A;
	s5 =	simm.s32 @!p2 $0x0  }
0x1d: {  	s5 =	simm.s32 @p1 $0x1;
	p0 =	seq.s32 s7, s2  }
0x1e: {  	s7 =	smul.u32 @!p0 $0xF7A, s2;
	p2 =	seq.s32 @!p0 s5, $0x0  }
0x1f: {  	s9 =	smul.u32 $0xF7A, s1;
	s8 =	simm.s32 @!p0 $0x1BF5;
	p2 =	por !p2, p0  }
0x20: {  	[sflag:s8] =	ssyncset.s32 @!p0 $0xFFFFF086;
	s6 =	sadd.s32 @!p0 s3, s7;
	s7 =	simm.s32 @!p0 $0x108  }
0x21: {  	s3 =	sadd.s32 s3, s9;
	s6 =	sadd.s32 @!p0 $0x88, s6;
	s7 =	simm.s32 @p2 $0x1082  }
0x22: {  	[simem:s7], [sflag:s8] =	dma.local @!p0 [hbm:s6], $0xF7A  }
0x23: {  	s9 =	sor.u32 $0xD0000000, s2;
	s6 =	simm.s32 $0x108;
	_ =	swait.ge @!p0 [sflag:s8], $0x0  }
0x24: {  	s3 =	sadd.s32 $0x88, s3;
	s6 =	simm.s32 @!p1 $0x1082;
	[sflag:s4] =	ssyncset.s32 $0xFFFFF086  }
0x25: {  	[simem:s6], [sflag:s4] =	dma.local [hbm:s3], $0xF7A  }
0x26: {  	[smem:$0x3F9E] =	sst s1;
	(tag) =	ssettag s2;
	_ =	strace s9  }
0x27: {  	s1 =	sld [smem:$0x3FAE]  }
0x28: {  	s2 =	sld [smem:$0x3FAF]  }
0x29: {  	s4 =	sld [smem:$0x3FB1]  }
0x2a: {  	p0 =	seq.s32 s5, $0x0;
	s5 =	sld [smem:$0x3FB2]  }
0x2b: {  	s6 =	sld [smem:$0x3FB3]  }
0x2c: {  	s7 =	sld [smem:$0x3FB4]  }
0x2d: {  	s3 =	simm.s32 $0x108;
	s8 =	sld [smem:$0x3FB5]  }
0x2e: {  	s3 =	simm.s32 @!p0 $0x1082;
	s9 =	sld [smem:$0x3FB6]  }
0x2f: {  	lr =	sadd.s32 s0, s3;
	s0 =	sld [smem:$0x3FAD]  }
0x30: {  	s3 =	sld [smem:$0x3FB0]  }
0x31: {  	[smem:$0x3FB9] =	sst s10  }
0x32: {  	s10 =	sld [smem:$0x3FB7];
	_ =	sdelay $0x3  }
0x33: {  	p0 =	seq.s32 s10, $0x1;
	s10 =	sld [smem:$0x3FB9];
	_ =	sdelay $0x3  }
0x34: {  	[smem:$0x3FB9] =	sst s10  }
0x35: {  	s10 =	sld [smem:$0x3FB8];
	_ =	sdelay $0x3  }
0x36: {  	p1 =	seq.s32 s10, $0x1;
	s10 =	sld [smem:$0x3FB9];
	_ =	sdelay $0x3  }
0x37: {  	[smem:$0x3FB9] =	sst s10  }
0x38: {  	s10 =	sld [smem:$0x3FBA]  }
0x39: {  	_ = 	snop;
	(pc) =	sbr.ind lr, $3  }
0x3a: {  	_ = 	snop  }
0x3b: {  	_ = 	snop  }
0x3c: {  	p2 =	seq.s32 s10, $0x1;
	s10 =	sld [smem:$0x3FB9]  }
0x3d: {  	_ =	shalt  }
0x3e: {  	_ =	shalt  }
0x3f: {  	_ =	shalt  }
0x40: {  	_ =	shalt  }
0x41: {  	_ =	shalt  }
0x42: {  	_ =	shalt  }
0x43: {  	_ =	shalt  }
0x44: {  	_ =	shalt  }
0x45: {  	_ =	shalt  }
0x46: {  	_ =	shalt  }
0x47: {  	_ =	shalt  }
0x48: {  	_ =	shalt  }
0x49: {  	_ =	shalt  }
0x4a: {  	_ =	shalt  }
0x4b: {  	_ =	shalt  }
0x4c: {  	_ =	shalt  }
0x4d: {  	_ =	shalt  }
0x4e: {  	_ =	shalt  }
0x4f: {  	_ =	shalt  }
0x50: {  	_ =	shalt  }
0x51: {  	_ =	shalt  }
0x52: {  	_ =	shalt  }
0x53: {  	_ =	shalt  }
0x54: {  	_ =	shalt  }
0x55: {  	_ =	shalt  }
0x56: {  	_ =	shalt  }
0x57: {  	_ =	shalt  }
0x58: {  	_ =	shalt  }
0x59: {  	_ =	shalt  }
0x5a: {  	_ =	shalt  }
0x5b: {  	_ =	shalt  }
0x5c: {  	_ =	shalt  }
0x5d: {  	_ =	shalt  }
0x5e: {  	_ =	shalt  }
0x5f: {  	_ =	shalt  }
0x60: {  	_ =	shalt  }
0x61: {  	_ =	shalt  }
0x62: {  	_ =	shalt  }
0x63: {  	_ =	shalt  }
0x64: {  	_ =	shalt  }
0x65: {  	_ =	shalt  }
0x66: {  	_ =	shalt  }
0x67: {  	_ =	shalt  }
0x68: {  	_ =	shalt  }
0x69: {  	_ =	shalt  }
0x6a: {  	_ =	shalt  }
0x6b: {  	_ =	shalt  }
0x6c: {  	_ =	shalt  }
0x6d: {  	_ =	shalt  }
0x6e: {  	_ =	shalt  }
0x6f: {  	_ =	shalt  }
0x70: {  	_ =	shalt  }
0x71: {  	_ =	shalt  }
0x72: {  	_ =	shalt  }
0x73: {  	_ =	shalt  }
0x74: {  	_ =	shalt  }
0x75: {  	_ =	shalt  }
0x76: {  	_ =	shalt  }
0x77: {  	_ =	shalt  }
0x78: {  	_ =	shalt  }
0x79: {  	_ =	shalt  }
0x7a: {  	_ =	shalt  }
0x7b: {  	_ =	shalt  }
0x7c: {  	_ =	shalt  }
0x7d: {  	_ =	shalt  }
0x7e: {  	_ =	shalt  }
0x7f: {  	_ =	shalt  }
0x80: {  	_ =	shalt  }
0x81: {  	_ =	shalt  }
0x82: {  	_ =	shalt  }
0x83: {  	_ =	shalt  }
0x84: {  	_ =	shalt  }
0x85: {  	_ =	shalt  }
0x86: {  	_ =	shalt  }
0x87: {  	_ =	shalt  }
.Lfunc_end0:
.L_simem_size_0:
called_computation.1_lowered:
.L_overlay_start_0:
0x88: {  	s2 =	sld [smem:$0x3FD9]  }
0x89: {  	s3 =	sld [smem:$0x3FFE];
	_ =	sdelay $0x1  }
0x8a: {  	s1 =	srdreg.scid  }
0x8b: {  	s0 =	sand.u32 $0x1, s1  }
0x8c: {  	s16 =	sshll.u32 s0, $0xA;
	s2 =	sadd.s32 s3, s2  }
0x8d: {  	s2 =	sadd.s32 s2, s16  }
0x8e: {  	[smem:$0x3FC5] =	sst s2  }
0x8f: {  	_ = 	snop  }
0x90: {  	(tm) =	ssettm $0x1  }
0x91: {  	s17 =	sld [smem:$0x3FFB];
	_ =	sdelay $0x3  }
0x92: {  	_ =	strace s17  }
0x93: {  	s2 =	sld [smem:$0x3FFC];
	_ =	sdelay $0x3  }
0x94: {  	_ =	strace s2  }
0x95: {  	s2 =	sld [smem:$0x3FFD];
	_ =	sdelay $0x3  }
0x96: {  	_ =	strace s2  }
0x97: {  	_ =	strace $0x8FFFFFFF  }
0x98: {  	s18 =	sld [smem:$0x3FDB];
	_ =	sdelay $0x1  }
0x99: {  	s19 =	simm.s32 $_scs_section_size  }
0x9a: {  	s4 =	simm.s32 $_size__tile_overlayer_lowered;
	s5 =	simm.s32 $_tile_overlayer_lowered  }
0x9b: {  	s22 =	simm.s32 $0x1BFF;
	s21 =	sshll.u32 s5, $0x1;
	s2 =	sadd.s32 s19, s18  }
0x9c: {  	s6 =	simm.s32 $0x0;
	s20 =	sshll.u32 s4, $0x1;
	s4 =	sadd.s32 s21, s2  }
0x9d: {  	[timem:s6], [sflag:s22] =	dma.local [hbm:s4], s20  }
0x9e: {  	_ =	swait.ge [sflag:s22], s20  }
0x9f: {  	s3 =	ssub.s32 $0x0, s20;
	[sflag:s22] =	ssyncset.done $0x0  }
0xa0: {  	[sflag:s22] =	ssyncadd.s32 s3;
	_ =	sdelay $0x1  }
0xa1: {  	s23 =	simm.s32 $0x1B8B  }
0xa2: {  	_ =	swait.ge [sflag:s23], $0x1  }
0xa3: {  	[sflag:s23] =	ssyncset.done $0x0  }
0xa4: {  	s25 =	simm.s32 $0x1B8E;
	s24 =	sld [smem:$0x3FFE];
	[sflag:s23] =	ssyncadd.s32 $0xFFFFFFFF  }
0xa5: {  	s26 =	simm.s32 $execute0_lowered;
	[smem:$0x3FD2] =	sst s25  }
0xa6: {  	s4 =	sshll.u32 s26, $0x1;
	_ =	strace $0x80000049;
	[dreg:$0x1] =	wrdreg $0xFFFFFFFF  }
0xa7: {  	s28 =	simm.s32 $_size_execute0_lowered;
	s2 =	sadd.s32 s2, s4;
	[dreg:$0x0] =	wrdreg $0x0  }
0xa8: {  	s4 =	sshll.u32 s28, $0x1;
	[dreg:$0x2] =	wrdreg s2  }
0xa9: {  	[dreg:$0x3] =	wrdreg s4  }
0xaa: {  	[dreg:$0x4] =	wrdreg $0xC0  }
0xab: {  	_ =	task [dreg:s6], $0x5FFFF  }
0xac: {  	[dreg:$0x1] =	wrdreg $0xFFFFFFFF  }
0xad: {  	[dreg:$0x0] =	wrdreg $0x60  }
0xae: {  	[dreg:$0x2] =	wrdreg s24  }
0xaf: {  	[dreg:$0x3] =	wrdreg $0x9  }
0xb0: {  	_ =	task.clear_ibuf [dreg:s6], $0x4FFFF;
	_ =	strace $0x90000049  }
0xb1: {  	s29 =	simm.s32 $0x9;
	_ =	strace $0x8000004B  }
0xb2: {  	_ =	swait.ge [sflag:s29], $0x1  }
0xb3: {  	[sflag:s29] =	ssyncadd.s32 $0xFFFFFFFF  }
0xb4: {  	_ =	strace $0x9000004B  }
0xb5: {  	_ =	sfence  }
0xb6: {  	s30 =	sld [smem:$0x0];
	_ =	sdelay $0x2  }
0xb7: {  	s31 =	sshll.u32 s1, $0xD;
	s1 =	sshrl.u32 s1, $0x2  }
0xb8: {  	s3 =	sand.u32 $0x4000, s31;
	s1 =	sadd.s32 s1, s30  }
0xb9: {  	s0 =	sor.u32 s3, s0;
	s1 =	sshll.u32 s1, $0x11  }
0xba: {  	s0 =	sor.u32 s1, s0  }
0xbb: {  	s0 =	sadd.s32 $0x8F2B, s0  }
0xbc: {  	[sflag:s0] =	ssyncadd.remote.s32 $0x1  }
0xbd: {  	_ =	sfence.sel $0xFFFF  }
0xbe: {  	[dreg:$0x0] =	wrdreg $0xFFFFFFFF;
	(pc) =	sbr.abs _section_cstart, $3  }
0xbf: {  	[dreg:$0x1] =	wrdreg $0xFFFFFFFF  }
0xc0: {  	_ =	task.clear_ibuf [dreg:s6], $0x2FFFF;
	_ =	strace $0x9FFFFFFF  }
0xc1: {  	(tm) =	ssettm $0x7FFFFFFF  }
tec
execute0_lowered:
.L_overlay_start_1:
0x0: {  	(tag) =	ssettag $0x1  }
0x1: {  	s1 =	srdreg.scid;
	s0 =	stileid.u32  }
0x2: {  	s12 =	sand.u32 $0x1, s1;
	s31 =	sshll.u32 s0, $0x1  }
0x3: {  	s7 =	rddreg [dreg:$0x0];
	s5 =	sor.u32 s12, s31  }
0x4: {  	s2 =	simm.s32 $0x0;
	s1 =	rddreg [dreg:$0x1];
	s3 =	sshll.u32 s5, $0x5  }
0x5: {  	[smem:$0x7FF] =	sst s2;
	s3 =	sadd.s32 s3, s7  }
0x6: {  	_ =	strace $0x8000004A;
	s4 =	sadd.s32 $0x10600, s3;
	s3 =	simm.s32 $0x2  }
0x7: {  	[tilespmem:s2], [sflag:$0x2] =	stream.linear.gather [hbm4b:s4+s2], $0x100, $0x38;
	[tilespmem:$0x300] =	vst v63  }
0x8: {  	s5 =	sshll.u32 s5, $0x4;
	_ =	swait.ge [sflag:s3], $0x100  }
0x9: {  	s13 =	sadd.s32 s5, s7;
	[sflag:s3] =	ssyncset.done $0x0  }
0xa: {  	s6 =	simm.s32 $0x200;
	s5 =	sadd.s32 $0x10400, s13;
	[sflag:s3] =	ssyncadd.s32 $0xFFFFFF00  }
0xb: {  	[tilespmem:s6], [sflag:$0x2] =	stream.linear.gather [hbm4b:s5+s2], $0x80, $0x38;
	[tilespmem:$0x300] =	vst v63  }
0xc: {  	_ =	swait.ge [sflag:s3], $0x80  }
0xd: {  	s8 =	simm.s32 $0x80;
	[sflag:s3] =	ssyncset.done $0x0  }
0xe: {  	s9 =	simm.s32 $0x100;
	s7 =	sadd.s32 $0x10A00, s7;
	[sflag:s3] =	ssyncadd.s32 $0xFFFFFF80  }
0xf: {  	[tilespmem:s9], [sflag:$0x1] =	stream.indirect.gather [hbm4b:s7+s8], $0x1, s2, s8, $0xb8;
	[tilespmem:$0x300] =	vst v63  }
0x10: {  	s10 =	simm.s32 $0x180;
	s11 =	simm.s32 $0x1  }
0x11: {  	[tilespmem:s10], [sflag:$0x1] =	stream.indirect.gather [hbm4b:s7+s8], $0x1, s8, s8, $0xb8;
	[tilespmem:$0x300] =	vst v63  }
0x12: {  	_ =	swait.ge [sflag:s11], $0x80  }
0x13: {  	[sflag:s11] =	ssyncset.done $0x0  }
0x14: {  	[sflag:s11] =	ssyncadd.s32 $0xFFFFFF80  }
0x15: {  	_ =	swait.ge [sflag:s11], $0x80  }
0x16: {  	[sflag:s11] =	ssyncset.done $0x0  }
0x17: {  	[sflag:s11] =	ssyncadd.s32 $0xFFFFFF80  }
0x18: {  	v0 =	vld [tilespmem:$0x100];
	_ =	sdelay $0x1  }
0x19: {  	v1 =	vld [tilespmem:$0x110];
	_ =	sdelay $0x1  }
0x1a: {  	v2 =	vld [tilespmem:$0x120]  }
0x1b: {  	v0 =	vadd.f32 $0.0e+00, v0  }
0x1c: {  	v3 =	vld [tilespmem:$0x130]  }
0x1d: {  	v0 =	vadd.f32 v1, v0  }
0x1e: {  	v51 =	vld [tilespmem:$0x140]  }
0x1f: {  	v0 =	vadd.f32 v2, v0  }
0x20: {  	v52 =	vld [tilespmem:$0x150]  }
0x21: {  	v0 =	vadd.f32 v3, v0  }
0x22: {  	v53 =	vld [tilespmem:$0x160]  }
0x23: {  	v0 =	vadd.f32 v51, v0  }
0x24: {  	v54 =	vld [tilespmem:$0x170]  }
0x25: {  	v0 =	vadd.f32 v52, v0  }
0x26: {  	v55 =	vld [tilespmem:$0x180]  }
0x27: {  	v0 =	vadd.f32 v53, v0  }
0x28: {  	v56 =	vld [tilespmem:$0x190]  }
0x29: {  	v0 =	vadd.f32 v54, v0  }
0x2a: {  	v57 =	vld [tilespmem:$0x1A0]  }
0x2b: {  	v0 =	vadd.f32 v55, v0  }
0x2c: {  	v58 =	vld [tilespmem:$0x1B0]  }
0x2d: {  	v0 =	vadd.f32 v56, v0  }
0x2e: {  	v59 =	vld [tilespmem:$0x1C0]  }
0x2f: {  	v0 =	vadd.f32 v57, v0  }
0x30: {  	v60 =	vld [tilespmem:$0x1D0]  }
0x31: {  	v0 =	vadd.f32 v58, v0  }
0x32: {  	v61 =	vld [tilespmem:$0x1E0]  }
0x33: {  	v0 =	vadd.f32 v59, v0  }
0x34: {  	v62 =	vld [tilespmem:$0x1F0]  }
0x35: {  	v0 =	vadd.f32 v60, v0  }
0x36: {  	v63 =	vld [tilespmem:$0x200]  }
0x37: {  	v0 =	vadd.f32 v61, v0;
	_ =	sdelay $0x1  }
0x38: {  	s12 =	ssub.s32 $0x2, s12;
	v0 =	vadd.f32 v62, v0  }
0x39: {  	s14 =	sshrl.u32 s12, $0x1  }
0x3a: {  	s14 =	ssub.s32 s12, s14;
	v0 =	vsub.f32 v0, v63  }
0x3b: {  	s14 =	smax.u32 s14, $0x1  }
0x3c: {  	p0 =	sne.s32 s14, $0x1;
	v0 =	vmul.f32 $1.220703130e-04, v0  }
.Ltmp0:
0x3d: {  	_ = 	snop;
	(pc) =	sbr.rel @!p0 .LBB2_2-.Ltmp0, $4  }
0x3e: {  	s12 =	sadd.s32 $0x400, s13;
	s13 =	simm.s32 $0x280;
	[tilespmem:$0x280] =	vst v0  }
0x3f: {  	[hbm4b:s12+s2] =	stream.linear.scatter [tilespmem:s13], [sflag:$0x2], $0x80, $0x38;
	[tilespmem:$0x300] =	vst v63  }
0x40: {  	_ =	swait.ge [sflag:s3], $0x80  }
0x41: {  	s14 =	sadd.s32 $0xFFFFFFFF, s14;
	[sflag:s3] =	ssyncset.done $0x0  }
.LBB2_1:
0x42: {  	p0 =	sne.s32 s14, $0x1;
	s14 =	sadd.s32 $0xFFFFFFFF, s14;
	[sflag:s3] =	ssyncadd.s32 $0xFFFFFF80  }
0x43: {  	[tilespmem:s2], [sflag:$0x2] =	stream.linear.gather [hbm4b:s4+s2], $0x100, $0x38;
	[tilespmem:$0x300] =	vst v63  }
0x44: {  	_ =	swait.ge [sflag:s3], $0x100  }
0x45: {  	[sflag:s3] =	ssyncset.done $0x0  }
0x46: {  	[sflag:s3] =	ssyncadd.s32 $0xFFFFFF00  }
0x47: {  	[tilespmem:s6], [sflag:$0x2] =	stream.linear.gather [hbm4b:s5+s2], $0x80, $0x38;
	[tilespmem:$0x300] =	vst v63  }
0x48: {  	_ =	swait.ge [sflag:s3], $0x80  }
0x49: {  	[sflag:s3] =	ssyncset.done $0x0  }
0x4a: {  	[sflag:s3] =	ssyncadd.s32 $0xFFFFFF80  }
0x4b: {  	[tilespmem:s9], [sflag:$0x1] =	stream.indirect.gather [hbm4b:s7+s8], $0x1, s2, s8, $0xb8;
	[tilespmem:$0x300] =	vst v63  }
0x4c: {  	_ = 	snop  }
0x4d: {  	[tilespmem:s10], [sflag:$0x1] =	stream.indirect.gather [hbm4b:s7+s8], $0x1, s8, s8, $0xb8;
	[tilespmem:$0x300] =	vst v63  }
0x4e: {  	_ =	swait.ge [sflag:s11], $0x80  }
0x4f: {  	[sflag:s11] =	ssyncset.done $0x0  }
0x50: {  	[sflag:s11] =	ssyncadd.s32 $0xFFFFFF80  }
0x51: {  	_ =	swait.ge [sflag:s11], $0x80  }
0x52: {  	[sflag:s11] =	ssyncset.done $0x0  }
0x53: {  	[sflag:s11] =	ssyncadd.s32 $0xFFFFFF80  }
0x54: {  	v0 =	vld [tilespmem:$0x100];
	_ =	sdelay $0x1  }
0x55: {  	v1 =	vld [tilespmem:$0x110];
	_ =	sdelay $0x1  }
0x56: {  	v2 =	vld [tilespmem:$0x120]  }
0x57: {  	v0 =	vadd.f32 $0.0e+00, v0  }
0x58: {  	v3 =	vld [tilespmem:$0x130]  }
0x59: {  	v0 =	vadd.f32 v1, v0  }
0x5a: {  	v1 =	vld [tilespmem:$0x140]  }
0x5b: {  	v0 =	vadd.f32 v2, v0  }
0x5c: {  	v2 =	vld [tilespmem:$0x150]  }
0x5d: {  	v0 =	vadd.f32 v3, v0  }
0x5e: {  	v3 =	vld [tilespmem:$0x160]  }
0x5f: {  	v0 =	vadd.f32 v1, v0  }
0x60: {  	v1 =	vld [tilespmem:$0x170]  }
0x61: {  	v0 =	vadd.f32 v2, v0  }
0x62: {  	v2 =	vld [tilespmem:$0x180]  }
0x63: {  	v0 =	vadd.f32 v3, v0  }
0x64: {  	v3 =	vld [tilespmem:$0x190]  }
0x65: {  	v0 =	vadd.f32 v1, v0  }
0x66: {  	v1 =	vld [tilespmem:$0x1A0]  }
0x67: {  	v0 =	vadd.f32 v2, v0  }
0x68: {  	v2 =	vld [tilespmem:$0x1B0]  }
0x69: {  	v0 =	vadd.f32 v3, v0  }
0x6a: {  	v3 =	vld [tilespmem:$0x1C0]  }
0x6b: {  	v0 =	vadd.f32 v1, v0  }
0x6c: {  	v1 =	vld [tilespmem:$0x1D0]  }
0x6d: {  	v0 =	vadd.f32 v2, v0  }
0x6e: {  	v2 =	vld [tilespmem:$0x1E0]  }
0x6f: {  	v0 =	vadd.f32 v3, v0  }
0x70: {  	v3 =	vld [tilespmem:$0x1F0]  }
0x71: {  	v0 =	vadd.f32 v1, v0  }
0x72: {  	v1 =	vld [tilespmem:$0x200]  }
0x73: {  	v0 =	vadd.f32 v2, v0;
	_ =	sdelay $0x1  }
0x74: {  	v0 =	vadd.f32 v3, v0;
	_ =	sdelay $0x1  }
0x75: {  	v0 =	vsub.f32 v0, v1;
	_ =	sdelay $0x1  }
0x76: {  	v0 =	vmul.f32 $1.220703130e-04, v0  }
.Ltmp1:
0x77: {  	(pc) =	sbr.rel @p0 .LBB2_1-.Ltmp1, $4  }
0x78: {  	[tilespmem:$0x280] =	vst v0  }
0x79: {  	[hbm4b:s12+s2] =	stream.linear.scatter [tilespmem:s13], [sflag:$0x2], $0x80, $0x38;
	[tilespmem:$0x300] =	vst v63  }
0x7a: {  	_ =	swait.ge [sflag:s3], $0x80  }
0x7b: {  	[sflag:s3] =	ssyncset.done $0x0  }
.LBB2_2:
0x7c: {  	[sflag:s3] =	ssyncadd.s32 $0xFFFFFF80  }
0x7d: {  	_ =	sfence.sel $0x180000  }
0x7e: {  	[bflag:$0x0] =	sbarrier.arrive $0xFFFF  }
0x7f: {  	p0 =	sne.s32 s0, $0x0;
	_ =	strace $0x9000004A  }
0x80: {  	s0 =	sadd.s32 @!p0 $0x100000, s1;
	[bflag:$0x2] =	sbarrier.arrive $0xFFFF  }
0x81: {  	[sflag:s0] =	ssyncadd.tile.s32 @!p0 $0x1;
	_ =	shalt  }
.Lfunc_end2:
_tile_overlayer_lowered:
.L_overlay_start_2:
0x82: {  	(tag) =	ssettag $0x2  }
0x83: {  	s0 =	rddreg [dreg:$0x0];
	s2 =	stileid.u32  }
0x84: {  	s1 =	rddreg [dreg:$0x1];
	p0 =	sne.s32 s2, $0x0  }
0x85: {  	s3 =	rddreg [dreg:$0x2];
	[bflag:$0x3] =	sbarrier.arrive $0xFFFF;
	s2 =	simm.s32 @!p0 $0x1C02  }
0x86: {  	[timem:s3], [sflag:s2] =	dma.local @!p0 [hbm:s0], s1  }
0x87: {  	s0 =	simm.s32 @!p0 $0x2  }
0x88: {  	_ =	swait.ge @!p0 [sflag:s0], s1  }
0x89: {  	s1 =	ssub.s32 @!p0 $0x0, s1;
	[sflag:s0] =	ssyncset.done @!p0 $0x0  }
0x8a: {  	[sflag:s0] =	ssyncadd.s32 @!p0 s1  }
0x8b: {  	[bflag:$0x3] =	sbarrier.arrive $0xFFFF  }
0x8c: {  	_ =	shalt  }

</sc_bundles>
